<compile_context>
chip_gen: v7x
topology: tpu7x:2x2x1
jax: 0.10.2.dev20260603
libtpu: 0.0.44.dev20260713+nightly
codegen_flags: <defaults>
</compile_context>

<pallas_src>
import functools

import jax
import jax.numpy as jnp
from jax import lax
from jax.experimental import pallas as pl
from jax.experimental.pallas import tpu as pltpu
from jax.experimental.pallas import tpu_sc as plsc

N_CODES = 8192
CODE_DIM = 64
COMMITMENT_COST = 0.25

_M_BLK = 1024
_N_TOK = 9216

_NC = 2
_NS = 16
_CHUNK = _N_TOK // (_NC * _NS)
_SUB = 96


def _argmin_body(z_ref, sz_ref, cb_ref, sc_ref, idx_ref, dsum_ref):
    i = pl.program_id(0)

    z2 = z_ref[...] * 2.0
    sz = sz_ref[...]

    m = None
    cidx = None
    for t in range(N_CODES // 256):
        tlo = t * 256
        mmc = lax.dot_general(z2, cb_ref[tlo:tlo + 256, :],
                              (((1,), (1,)), ((), ())),
                              preferred_element_type=jnp.float32)
        for h in range(2):
            c = 2 * t + h
            lo, hi = c * 128, (c + 1) * 128
            dch = (sz + sc_ref[:, lo:hi]) - mmc[:, h * 128:(h + 1) * 128]
            if c == 0:
                m = dch
                cidx = jnp.zeros(dch.shape, jnp.int32)
            else:
                upd = dch < m
                cidx = jnp.where(upd, jnp.int32(c), cidx)
                m = jnp.minimum(dch, m)

    dmin = jnp.min(m, axis=1, keepdims=True)
    lane = lax.broadcasted_iota(jnp.int32, m.shape, 1)
    code = cidx * 128 + lane
    sel = jnp.where(m == dmin, code, jnp.int32(N_CODES))
    idx = jnp.min(sel, axis=1)

    idx_ref[...] = idx

    @pl.when(i == 0)
    def _():
        dsum_ref[0, 0] = 0.0

    dsum_ref[0, 0] += jnp.sum(dmin)


def _run_argmin(z_flat, sz, codebook, sc_row):
    grid = _N_TOK // _M_BLK
    idx3, dsum = pl.pallas_call(
        _argmin_body,
        grid=(grid,),
        in_specs=[
            pl.BlockSpec((_M_BLK, CODE_DIM), lambda i: (i, 0)),
            pl.BlockSpec((_M_BLK, 1), lambda i: (i, 0)),
            pl.BlockSpec((N_CODES, CODE_DIM), lambda i: (0, 0)),
            pl.BlockSpec((1, N_CODES), lambda i: (0, 0)),
        ],
        out_specs=[
            pl.BlockSpec((_M_BLK,), lambda i: (i,)),
            pl.BlockSpec(memory_space=pltpu.SMEM),
        ],
        out_shape=[
            jax.ShapeDtypeStruct((_N_TOK,), jnp.int32),
            jax.ShapeDtypeStruct((1, 1), jnp.float32),
        ],
    )(z_flat, sz, codebook, sc_row)
    return idx3, dsum


def _sc_body(cb_hbm, idx_hbm, zq_hbm, cnt_hbm,
             idxa, idxb, idxc, rows, ones, zbuf, csh, sem):
    c = lax.axis_index("c")
    s = lax.axis_index("s")
    wid = s * _NC + c
    base = wid * _CHUNK

    zeros16 = jnp.zeros((16,), jnp.float32)
    for i in range(_SC_ZERO // 16):
        zbuf[pl.ds(16 * i, 16)] = zeros16
    ones16 = jnp.full((16,), 1.0, jnp.float32)
    for i in range(_SUB // 16):
        ones[pl.ds(16 * i, 16)] = ones16

    pltpu.sync_copy(zbuf, csh.at[pl.ds(s * _SC_ZERO, _SC_ZERO)])

    pltpu.sync_copy(idx_hbm.at[pl.ds(base, _SUB)], idxa)
    pltpu.sync_copy(idx_hbm.at[pl.ds(base + _SUB, _SUB)], idxb)
    pltpu.sync_copy(idx_hbm.at[pl.ds(base + 2 * _SUB, _SUB)], idxc)

    cp1 = pltpu.async_copy(cb_hbm.at[idxa], rows.at[pl.ds(0, _SUB)], sem)
    cp2 = pltpu.async_copy(cb_hbm.at[idxb], rows.at[pl.ds(_SUB, _SUB)], sem)
    cp3 = pltpu.async_copy(cb_hbm.at[idxc], rows.at[pl.ds(2 * _SUB, _SUB)], sem)
    cp1.wait()
    cp2.wait()
    cp3.wait()

    pltpu.sync_copy(rows, zq_hbm.at[pl.ds(base, _CHUNK)])

    plsc.subcore_barrier()
    pltpu.sync_copy(ones, csh.at[idxa], add=True)
    pltpu.sync_copy(ones, csh.at[idxb], add=True)
    pltpu.sync_copy(ones, csh.at[idxc], add=True)
    plsc.subcore_barrier()

    @pl.when(s == 0)
    def _():
        pltpu.sync_copy(csh, cnt_hbm.at[c])


_SC_ZERO = N_CODES // _NS

_sc_gather_counts = functools.partial(
    pl.kernel,
    out_type=[
        jax.ShapeDtypeStruct((_N_TOK, CODE_DIM), jnp.float32),
        jax.ShapeDtypeStruct((_NC, N_CODES), jnp.float32),
    ],
    mesh=plsc.VectorSubcoreMesh(core_axis_name="c", subcore_axis_name="s"),
    scratch_types=[
        pltpu.VMEM((_SUB,), jnp.int32),
        pltpu.VMEM((_SUB,), jnp.int32),
        pltpu.VMEM((_SUB,), jnp.int32),
        pltpu.VMEM((_CHUNK, CODE_DIM), jnp.float32),
        pltpu.VMEM((_SUB,), jnp.float32),
        pltpu.VMEM((_SC_ZERO,), jnp.float32),
        pltpu.VMEM_SHARED((N_CODES,), jnp.float32),
        pltpu.SemaphoreType.DMA,
    ],
    compiler_params=pltpu.CompilerParams(use_tc_tiling_on_sc=False),
)(_sc_body)


def _stats_body(cnt_ref, dsum_ref, loss_ref, perp_ref, usage_ref, uniq_ref):
    cnt = cnt_ref[...]
    counts = jnp.sum(cnt, axis=0, keepdims=True)
    avg = counts / jnp.float32(_N_TOK)
    ent = avg * jnp.log(avg + 1e-10)
    perp_ref[0, 0] = jnp.exp(-jnp.sum(ent))
    uniq = jnp.sum((counts > 0).astype(jnp.float32))
    uniq_ref[0, 0] = uniq
    usage_ref[0, 0] = uniq / jnp.float32(N_CODES)
    mse = dsum_ref[0, 0] / jnp.float32(_N_TOK * CODE_DIM)
    loss_ref[0, 0] = mse * COMMITMENT_COST + mse


def _run_stats(cnt, dsum):
    return pl.pallas_call(
        _stats_body,
        in_specs=[
            pl.BlockSpec((_NC, N_CODES), lambda: (0, 0)),
            pl.BlockSpec(memory_space=pltpu.SMEM),
        ],
        out_specs=[pl.BlockSpec(memory_space=pltpu.SMEM)] * 4,
        out_shape=[jax.ShapeDtypeStruct((1, 1), jnp.float32)] * 4,
    )(cnt, dsum)


def kernel(z, codebook):
    B, N, D = z.shape
    z_flat = z.reshape(-1, D)

    sz = jnp.sum(z_flat ** 2, axis=1, keepdims=True)
    sc_row = jnp.sum(codebook ** 2, axis=1).reshape(1, N_CODES)

    indices, dsum = _run_argmin(z_flat, sz, codebook, sc_row)

    zq_flat, cnt = _sc_gather_counts(codebook, indices)

    loss, perp, usage, uniq = _run_stats(cnt, dsum)

    z_q_st = zq_flat.reshape(B, N, D)
    indices_2d = indices.reshape(B, N)

    return (z_q_st, indices_2d, loss[0, 0], perp[0, 0],
            usage[0, 0], uniq[0, 0])

# --- scband reference (transcript-rebuilt; emitter-appended) ---
"""Pipeline reference for scband-vector-quantizer-v2-90288802496519 (READ-ONLY COPY).

The authoritative reference and input builder live on the scoring server;
editing this copy changes nothing except your own understanding.
"""

import jax, jax.numpy as jnp
import numpy as np

N_CODES = 8192
CODE_DIM = 64
COMMITMENT_COST = 0.25


def setup_inputs(seed: int = 0) -> dict:
    key = jax.random.key(seed)
    k1, k2 = jax.random.split(key)
    z = jax.random.normal(k1, (16, 576, CODE_DIM), dtype=jnp.float32)
    # nn.Embedding weight initialized uniform(-1/n_codes, 1/n_codes)
    codebook = jax.random.uniform(k2, (N_CODES, CODE_DIM), dtype=jnp.float32,
                                  minval=-1.0 / N_CODES, maxval=1.0 / N_CODES)
    return {"z": z, "codebook": codebook}


def reference(z, codebook):
    B, N, D = z.shape
    z_flat = z.reshape(-1, D)
    # squared-distance matrix [B*N, K]
    d = (jnp.sum(z_flat ** 2, axis=1, keepdims=True)
         + jnp.sum(codebook ** 2, axis=1)
         - 2.0 * z_flat @ codebook.T)
    indices = jnp.argmin(d, axis=-1)
    z_q_flat = jnp.take(codebook, indices, axis=0)
    z_q = z_q_flat.reshape(B, N, D)
    indices_2d = indices.reshape(B, N)

    # training-mode losses (EMA buffer updates do not affect returned outputs
    # since z_q was gathered from the pre-update codebook)
    commitment_loss = jnp.mean((z - jax.lax.stop_gradient(z_q)) ** 2)
    codebook_loss = jnp.mean((z_q - jax.lax.stop_gradient(z)) ** 2)
    vq_loss = commitment_loss * COMMITMENT_COST + codebook_loss

    # straight-through estimator
    z_q_st = z + jax.lax.stop_gradient(z_q - z)

    # perplexity and usage stats (no_grad block in torch)
    counts = jnp.bincount(indices, length=N_CODES)
    avg_probs = counts.astype(jnp.float32) / indices.shape[0]
    perplexity = jnp.exp(-jnp.sum(avg_probs * jnp.log(avg_probs + 1e-10)))
    # code_usage starts at zeros and gets scatter-added with this batch's indices,
    # so unique_codes == number of distinct codes used in this batch
    unique_codes = jnp.sum(counts > 0).astype(jnp.float32)
    usage_ratio = unique_codes / N_CODES

    return (z_q_st, indices_2d, vq_loss, perplexity, usage_ratio, unique_codes)

if __name__ == "__main__":
    import jax
    _d = setup_inputs()
    print(jax.jit(kernel)(*tuple(_d.values())))

</pallas_src>

<mosaic_0001>
#map = affine_map<(d0, d1) -> (0, 0)>
#map1 = affine_map<(d0, d1) -> (0)>
module attributes {stable_mosaic.version = 14 : i64} {
  func.func @_sc_body(%arg0: i32, %arg1: i32, %arg2: memref<8192x64xf32, #tpu.memory_space<hbm>>, %arg3: memref<9216xi32, #tpu.memory_space<hbm>>, %arg4: memref<9216x64xf32, #tpu.memory_space<hbm>>, %arg5: memref<2x8192xf32, #tpu.memory_space<hbm>>, %arg6: memref<96xi32, #tpu.memory_space<vmem>>, %arg7: memref<96xi32, #tpu.memory_space<vmem>>, %arg8: memref<96xi32, #tpu.memory_space<vmem>>, %arg9: memref<288x64xf32, #tpu.memory_space<vmem>>, %arg10: memref<96xf32, #tpu.memory_space<vmem>>, %arg11: memref<512xf32, #tpu.memory_space<vmem>>, %arg12: memref<8192xf32, #tpu.memory_space<vmem_shared>>, %arg13: memref<!tpu.dma_semaphore, #tpu.memory_space<semaphore_mem>>) attributes {dimension_semantics = [#tpu.dimension_semantics<core_parallel>, #tpu.dimension_semantics<subcore_parallel>], iteration_bounds = array<i64: 2, 16>, scalar_prefetch = 0 : i64, scratch_operands = 8 : i64, tpu.core_type = #tpu.core_type<sc_vector_subcore>, window_params = [{transform_indices = #map}, {transform_indices = #map1}, {transform_indices = #map}, {transform_indices = #map}]} {
    %mul3A = arith.constant 2 : i32
    %mul3A_0 = arith.muli %arg1, %mul3A : i32
    %add3A = arith.addi %mul3A_0, %arg0 : i32
    %mul3A_1 = arith.constant 288 : i32
    %mul3A_2 = arith.muli %add3A, %mul3A_1 : i32
    %broadcast_in_dim3A = arith.constant 0.000000e+00 : f32
    %broadcast_in_dim3A_3 = vector.broadcast %broadcast_in_dim3A : f32 to vector<16xf32>
    %swap3A = arith.constant 0 : index
    %swap3A_4 = tpu.vector_load %arg11[%swap3A] {strides = array<i32>} : memref<512xf32, #tpu.memory_space<vmem>>, vector<16xf32>,
    %swap3A_5 = vector.shape_cast %swap3A_4 : vector<16xf32> to vector<16xf32>
    %swap3A_6 = vector.shape_cast %broadcast_in_dim3A_3 : vector<16xf32> to vector<16xf32>
    tpu.vector_store %arg11[%swap3A], %swap3A_6 {strides = array<i32>} : memref<512xf32, #tpu.memory_space<vmem>>, vector<16xf32>,
    %swap3A_7 = arith.constant 16 : index
    %swap3A_8 = tpu.vector_load %arg11[%swap3A_7] {strides = array<i32>} : memref<512xf32, #tpu.memory_space<vmem>>, vector<16xf32>,
    %swap3A_9 = vector.shape_cast %swap3A_8 : vector<16xf32> to vector<16xf32>
    %swap3A_10 = vector.shape_cast %broadcast_in_dim3A_3 : vector<16xf32> to vector<16xf32>
    tpu.vector_store %arg11[%swap3A_7], %swap3A_10 {strides = array<i32>} : memref<512xf32, #tpu.memory_space<vmem>>, vector<16xf32>,
    %swap3A_11 = arith.constant 32 : index
    %swap3A_12 = tpu.vector_load %arg11[%swap3A_11] {strides = array<i32>} : memref<512xf32, #tpu.memory_space<vmem>>, vector<16xf32>,
    %swap3A_13 = vector.shape_cast %swap3A_12 : vector<16xf32> to vector<16xf32>
    %swap3A_14 = vector.shape_cast %broadcast_in_dim3A_3 : vector<16xf32> to vector<16xf32>
    tpu.vector_store %arg11[%swap3A_11], %swap3A_14 {strides = array<i32>} : memref<512xf32, #tpu.memory_space<vmem>>, vector<16xf32>,
    %swap3A_15 = arith.constant 48 : index
    %swap3A_16 = tpu.vector_load %arg11[%swap3A_15] {strides = array<i32>} : memref<512xf32, #tpu.memory_space<vmem>>, vector<16xf32>,
    %swap3A_17 = vector.shape_cast %swap3A_16 : vector<16xf32> to vector<16xf32>
    %swap3A_18 = vector.shape_cast %broadcast_in_dim3A_3 : vector<16xf32> to vector<16xf32>
    tpu.vector_store %arg11[%swap3A_15], %swap3A_18 {strides = array<i32>} : memref<512xf32, #tpu.memory_space<vmem>>, vector<16xf32>,
    %swap3A_19 = arith.constant 64 : index
    %swap3A_20 = tpu.vector_load %arg11[%swap3A_19] {strides = array<i32>} : memref<512xf32, #tpu.memory_space<vmem>>, vector<16xf32>,
    %swap3A_21 = vector.shape_cast %swap3A_20 : vector<16xf32> to vector<16xf32>
    %swap3A_22 = vector.shape_cast %broadcast_in_dim3A_3 : vector<16xf32> to vector<16xf32>
    tpu.vector_store %arg11[%swap3A_19], %swap3A_22 {strides = array<i32>} : memref<512xf32, #tpu.memory_space<vmem>>, vector<16xf32>,
    %swap3A_23 = arith.constant 80 : index
    %swap3A_24 = tpu.vector_load %arg11[%swap3A_23] {strides = array<i32>} : memref<512xf32, #tpu.memory_space<vmem>>, vector<16xf32>,
    %swap3A_25 = vector.shape_cast %swap3A_24 : vector<16xf32> to vector<16xf32>
    %swap3A_26 = vector.shape_cast %broadcast_in_dim3A_3 : vector<16xf32> to vector<16xf32>
    tpu.vector_store %arg11[%swap3A_23], %swap3A_26 {strides = array<i32>} : memref<512xf32, #tpu.memory_space<vmem>>, vector<16xf32>,
    %swap3A_27 = arith.constant 96 : index
    %swap3A_28 = tpu.vector_load %arg11[%swap3A_27] {strides = array<i32>} : memref<512xf32, #tpu.memory_space<vmem>>, vector<16xf32>,
    %swap3A_29 = vector.shape_cast %swap3A_28 : vector<16xf32> to vector<16xf32>
    %swap3A_30 = vector.shape_cast %broadcast_in_dim3A_3 : vector<16xf32> to vector<16xf32>
    tpu.vector_store %arg11[%swap3A_27], %swap3A_30 {strides = array<i32>} : memref<512xf32, #tpu.memory_space<vmem>>, vector<16xf32>,
    %swap3A_31 = arith.constant 112 : index
    %swap3A_32 = tpu.vector_load %arg11[%swap3A_31] {strides = array<i32>} : memref<512xf32, #tpu.memory_space<vmem>>, vector<16xf32>,
    %swap3A_33 = vector.shape_cast %swap3A_32 : vector<16xf32> to vector<16xf32>
    %swap3A_34 = vector.shape_cast %broadcast_in_dim3A_3 : vector<16xf32> to vector<16xf32>
    tpu.vector_store %arg11[%swap3A_31], %swap3A_34 {strides = array<i32>} : memref<512xf32, #tpu.memory_space<vmem>>, vector<16xf32>,
    %swap3A_35 = arith.constant 128 : index
    %swap3A_36 = tpu.vector_load %arg11[%swap3A_35] {strides = array<i32>} : memref<512xf32, #tpu.memory_space<vmem>>, vector<16xf32>,
    %swap3A_37 = vector.shape_cast %swap3A_36 : vector<16xf32> to vector<16xf32>
    %swap3A_38 = vector.shape_cast %broadcast_in_dim3A_3 : vector<16xf32> to vector<16xf32>
    tpu.vector_store %arg11[%swap3A_35], %swap3A_38 {strides = array<i32>} : memref<512xf32, #tpu.memory_space<vmem>>, vector<16xf32>,
    %swap3A_39 = arith.constant 144 : index
    %swap3A_40 = tpu.vector_load %arg11[%swap3A_39] {strides = array<i32>} : memref<512xf32, #tpu.memory_space<vmem>>, vector<16xf32>,
    %swap3A_41 = vector.shape_cast %swap3A_40 : vector<16xf32> to vector<16xf32>
    %swap3A_42 = vector.shape_cast %broadcast_in_dim3A_3 : vector<16xf32> to vector<16xf32>
    tpu.vector_store %arg11[%swap3A_39], %swap3A_42 {strides = array<i32>} : memref<512xf32, #tpu.memory_space<vmem>>, vector<16xf32>,
    %swap3A_43 = arith.constant 160 : index
    %swap3A_44 = tpu.vector_load %arg11[%swap3A_43] {strides = array<i32>} : memref<512xf32, #tpu.memory_space<vmem>>, vector<16xf32>,
    %swap3A_45 = vector.shape_cast %swap3A_44 : vector<16xf32> to vector<16xf32>
    %swap3A_46 = vector.shape_cast %broadcast_in_dim3A_3 : vector<16xf32> to vector<16xf32>
    tpu.vector_store %arg11[%swap3A_43], %swap3A_46 {strides = array<i32>} : memref<512xf32, #tpu.memory_space<vmem>>, vector<16xf32>,
    %swap3A_47 = arith.constant 176 : index
    %swap3A_48 = tpu.vector_load %arg11[%swap3A_47] {strides = array<i32>} : memref<512xf32, #tpu.memory_space<vmem>>, vector<16xf32>,
    %swap3A_49 = vector.shape_cast %swap3A_48 : vector<16xf32> to vector<16xf32>
    %swap3A_50 = vector.shape_cast %broadcast_in_dim3A_3 : vector<16xf32> to vector<16xf32>
    tpu.vector_store %arg11[%swap3A_47], %swap3A_50 {strides = array<i32>} : memref<512xf32, #tpu.memory_space<vmem>>, vector<16xf32>,
    %swap3A_51 = arith.constant 192 : index
    %swap3A_52 = tpu.vector_load %arg11[%swap3A_51] {strides = array<i32>} : memref<512xf32, #tpu.memory_space<vmem>>, vector<16xf32>,
    %swap3A_53 = vector.shape_cast %swap3A_52 : vector<16xf32> to vector<16xf32>
    %swap3A_54 = vector.shape_cast %broadcast_in_dim3A_3 : vector<16xf32> to vector<16xf32>
    tpu.vector_store %arg11[%swap3A_51], %swap3A_54 {strides = array<i32>} : memref<512xf32, #tpu.memory_space<vmem>>, vector<16xf32>,
    %swap3A_55 = arith.constant 208 : index
    %swap3A_56 = tpu.vector_load %arg11[%swap3A_55] {strides = array<i32>} : memref<512xf32, #tpu.memory_space<vmem>>, vector<16xf32>,
    %swap3A_57 = vector.shape_cast %swap3A_56 : vector<16xf32> to vector<16xf32>
    %swap3A_58 = vector.shape_cast %broadcast_in_dim3A_3 : vector<16xf32> to vector<16xf32>
    tpu.vector_store %arg11[%swap3A_55], %swap3A_58 {strides = array<i32>} : memref<512xf32, #tpu.memory_space<vmem>>, vector<16xf32>,
    %swap3A_59 = arith.constant 224 : index
    %swap3A_60 = tpu.vector_load %arg11[%swap3A_59] {strides = array<i32>} : memref<512xf32, #tpu.memory_space<vmem>>, vector<16xf32>,
    %swap3A_61 = vector.shape_cast %swap3A_60 : vector<16xf32> to vector<16xf32>
    %swap3A_62 = vector.shape_cast %broadcast_in_dim3A_3 : vector<16xf32> to vector<16xf32>
    tpu.vector_store %arg11[%swap3A_59], %swap3A_62 {strides = array<i32>} : memref<512xf32, #tpu.memory_space<vmem>>, vector<16xf32>,
    %swap3A_63 = arith.constant 240 : index
    %swap3A_64 = tpu.vector_load %arg11[%swap3A_63] {strides = array<i32>} : memref<512xf32, #tpu.memory_space<vmem>>, vector<16xf32>,
    %swap3A_65 = vector.shape_cast %swap3A_64 : vector<16xf32> to vector<16xf32>
    %swap3A_66 = vector.shape_cast %broadcast_in_dim3A_3 : vector<16xf32> to vector<16xf32>
    tpu.vector_store %arg11[%swap3A_63], %swap3A_66 {strides = array<i32>} : memref<512xf32, #tpu.memory_space<vmem>>, vector<16xf32>,
    %swap3A_67 = arith.constant 256 : index
    %swap3A_68 = tpu.vector_load %arg11[%swap3A_67] {strides = array<i32>} : memref<512xf32, #tpu.memory_space<vmem>>, vector<16xf32>,
    %swap3A_69 = vector.shape_cast %swap3A_68 : vector<16xf32> to vector<16xf32>
    %swap3A_70 = vector.shape_cast %broadcast_in_dim3A_3 : vector<16xf32> to vector<16xf32>
    tpu.vector_store %arg11[%swap3A_67], %swap3A_70 {strides = array<i32>} : memref<512xf32, #tpu.memory_space<vmem>>, vector<16xf32>,
    %swap3A_71 = arith.constant 272 : index
    %swap3A_72 = tpu.vector_load %arg11[%swap3A_71] {strides = array<i32>} : memref<512xf32, #tpu.memory_space<vmem>>, vector<16xf32>,
    %swap3A_73 = vector.shape_cast %swap3A_72 : vector<16xf32> to vector<16xf32>
    %swap3A_74 = vector.shape_cast %broadcast_in_dim3A_3 : vector<16xf32> to vector<16xf32>
    tpu.vector_store %arg11[%swap3A_71], %swap3A_74 {strides = array<i32>} : memref<512xf32, #tpu.memory_space<vmem>>, vector<16xf32>,
    %swap3A_75 = arith.constant 288 : index
    %swap3A_76 = tpu.vector_load %arg11[%swap3A_75] {strides = array<i32>} : memref<512xf32, #tpu.memory_space<vmem>>, vector<16xf32>,
    %swap3A_77 = vector.shape_cast %swap3A_76 : vector<16xf32> to vector<16xf32>
    %swap3A_78 = vector.shape_cast %broadcast_in_dim3A_3 : vector<16xf32> to vector<16xf32>
    tpu.vector_store %arg11[%swap3A_75], %swap3A_78 {strides = array<i32>} : memref<512xf32, #tpu.memory_space<vmem>>, vector<16xf32>,
    %swap3A_79 = arith.constant 304 : index
    %swap3A_80 = tpu.vector_load %arg11[%swap3A_79] {strides = array<i32>} : memref<512xf32, #tpu.memory_space<vmem>>, vector<16xf32>,
    %swap3A_81 = vector.shape_cast %swap3A_80 : vector<16xf32> to vector<16xf32>
    %swap3A_82 = vector.shape_cast %broadcast_in_dim3A_3 : vector<16xf32> to vector<16xf32>
    tpu.vector_store %arg11[%swap3A_79], %swap3A_82 {strides = array<i32>} : memref<512xf32, #tpu.memory_space<vmem>>, vector<16xf32>,
    %swap3A_83 = arith.constant 320 : index
    %swap3A_84 = tpu.vector_load %arg11[%swap3A_83] {strides = array<i32>} : memref<512xf32, #tpu.memory_space<vmem>>, vector<16xf32>,
    %swap3A_85 = vector.shape_cast %swap3A_84 : vector<16xf32> to vector<16xf32>
    %swap3A_86 = vector.shape_cast %broadcast_in_dim3A_3 : vector<16xf32> to vector<16xf32>
    tpu.vector_store %arg11[%swap3A_83], %swap3A_86 {strides = array<i32>} : memref<512xf32, #tpu.memory_space<vmem>>, vector<16xf32>,
    %swap3A_87 = arith.constant 336 : index
    %swap3A_88 = tpu.vector_load %arg11[%swap3A_87] {strides = array<i32>} : memref<512xf32, #tpu.memory_space<vmem>>, vector<16xf32>,
    %swap3A_89 = vector.shape_cast %swap3A_88 : vector<16xf32> to vector<16xf32>
    %swap3A_90 = vector.shape_cast %broadcast_in_dim3A_3 : vector<16xf32> to vector<16xf32>
    tpu.vector_store %arg11[%swap3A_87], %swap3A_90 {strides = array<i32>} : memref<512xf32, #tpu.memory_space<vmem>>, vector<16xf32>,
    %swap3A_91 = arith.constant 352 : index
    %swap3A_92 = tpu.vector_load %arg11[%swap3A_91] {strides = array<i32>} : memref<512xf32, #tpu.memory_space<vmem>>, vector<16xf32>,
    %swap3A_93 = vector.shape_cast %swap3A_92 : vector<16xf32> to vector<16xf32>
    %swap3A_94 = vector.shape_cast %broadcast_in_dim3A_3 : vector<16xf32> to vector<16xf32>
    tpu.vector_store %arg11[%swap3A_91], %swap3A_94 {strides = array<i32>} : memref<512xf32, #tpu.memory_space<vmem>>, vector<16xf32>,
    %swap3A_95 = arith.constant 368 : index
    %swap3A_96 = tpu.vector_load %arg11[%swap3A_95] {strides = array<i32>} : memref<512xf32, #tpu.memory_space<vmem>>, vector<16xf32>,
    %swap3A_97 = vector.shape_cast %swap3A_96 : vector<16xf32> to vector<16xf32>
    %swap3A_98 = vector.shape_cast %broadcast_in_dim3A_3 : vector<16xf32> to vector<16xf32>
    tpu.vector_store %arg11[%swap3A_95], %swap3A_98 {strides = array<i32>} : memref<512xf32, #tpu.memory_space<vmem>>, vector<16xf32>,
    %swap3A_99 = arith.constant 384 : index
    %swap3A_100 = tpu.vector_load %arg11[%swap3A_99] {strides = array<i32>} : memref<512xf32, #tpu.memory_space<vmem>>, vector<16xf32>,
    %swap3A_101 = vector.shape_cast %swap3A_100 : vector<16xf32> to vector<16xf32>
    %swap3A_102 = vector.shape_cast %broadcast_in_dim3A_3 : vector<16xf32> to vector<16xf32>
    tpu.vector_store %arg11[%swap3A_99], %swap3A_102 {strides = array<i32>} : memref<512xf32, #tpu.memory_space<vmem>>, vector<16xf32>,
    %swap3A_103 = arith.constant 400 : index
    %swap3A_104 = tpu.vector_load %arg11[%swap3A_103] {strides = array<i32>} : memref<512xf32, #tpu.memory_space<vmem>>, vector<16xf32>,
    %swap3A_105 = vector.shape_cast %swap3A_104 : vector<16xf32> to vector<16xf32>
    %swap3A_106 = vector.shape_cast %broadcast_in_dim3A_3 : vector<16xf32> to vector<16xf32>
    tpu.vector_store %arg11[%swap3A_103], %swap3A_106 {strides = array<i32>} : memref<512xf32, #tpu.memory_space<vmem>>, vector<16xf32>,
    %swap3A_107 = arith.constant 416 : index
    %swap3A_108 = tpu.vector_load %arg11[%swap3A_107] {strides = array<i32>} : memref<512xf32, #tpu.memory_space<vmem>>, vector<16xf32>,
    %swap3A_109 = vector.shape_cast %swap3A_108 : vector<16xf32> to vector<16xf32>
    %swap3A_110 = vector.shape_cast %broadcast_in_dim3A_3 : vector<16xf32> to vector<16xf32>
    tpu.vector_store %arg11[%swap3A_107], %swap3A_110 {strides = array<i32>} : memref<512xf32, #tpu.memory_space<vmem>>, vector<16xf32>,
    %swap3A_111 = arith.constant 432 : index
    %swap3A_112 = tpu.vector_load %arg11[%swap3A_111] {strides = array<i32>} : memref<512xf32, #tpu.memory_space<vmem>>, vector<16xf32>,
    %swap3A_113 = vector.shape_cast %swap3A_112 : vector<16xf32> to vector<16xf32>
    %swap3A_114 = vector.shape_cast %broadcast_in_dim3A_3 : vector<16xf32> to vector<16xf32>
    tpu.vector_store %arg11[%swap3A_111], %swap3A_114 {strides = array<i32>} : memref<512xf32, #tpu.memory_space<vmem>>, vector<16xf32>,
    %swap3A_115 = arith.constant 448 : index
    %swap3A_116 = tpu.vector_load %arg11[%swap3A_115] {strides = array<i32>} : memref<512xf32, #tpu.memory_space<vmem>>, vector<16xf32>,
    %swap3A_117 = vector.shape_cast %swap3A_116 : vector<16xf32> to vector<16xf32>
    %swap3A_118 = vector.shape_cast %broadcast_in_dim3A_3 : vector<16xf32> to vector<16xf32>
    tpu.vector_store %arg11[%swap3A_115], %swap3A_118 {strides = array<i32>} : memref<512xf32, #tpu.memory_space<vmem>>, vector<16xf32>,
    %swap3A_119 = arith.constant 464 : index
    %swap3A_120 = tpu.vector_load %arg11[%swap3A_119] {strides = array<i32>} : memref<512xf32, #tpu.memory_space<vmem>>, vector<16xf32>,
    %swap3A_121 = vector.shape_cast %swap3A_120 : vector<16xf32> to vector<16xf32>
    %swap3A_122 = vector.shape_cast %broadcast_in_dim3A_3 : vector<16xf32> to vector<16xf32>
    tpu.vector_store %arg11[%swap3A_119], %swap3A_122 {strides = array<i32>} : memref<512xf32, #tpu.memory_space<vmem>>, vector<16xf32>,
    %swap3A_123 = arith.constant 480 : index
    %swap3A_124 = tpu.vector_load %arg11[%swap3A_123] {strides = array<i32>} : memref<512xf32, #tpu.memory_space<vmem>>, vector<16xf32>,
    %swap3A_125 = vector.shape_cast %swap3A_124 : vector<16xf32> to vector<16xf32>
    %swap3A_126 = vector.shape_cast %broadcast_in_dim3A_3 : vector<16xf32> to vector<16xf32>
    tpu.vector_store %arg11[%swap3A_123], %swap3A_126 {strides = array<i32>} : memref<512xf32, #tpu.memory_space<vmem>>, vector<16xf32>,
    %swap3A_127 = arith.constant 496 : index
    %swap3A_128 = tpu.vector_load %arg11[%swap3A_127] {strides = array<i32>} : memref<512xf32, #tpu.memory_space<vmem>>, vector<16xf32>,
    %swap3A_129 = vector.shape_cast %swap3A_128 : vector<16xf32> to vector<16xf32>
    %swap3A_130 = vector.shape_cast %broadcast_in_dim3A_3 : vector<16xf32> to vector<16xf32>
    tpu.vector_store %arg11[%swap3A_127], %swap3A_130 {strides = array<i32>} : memref<512xf32, #tpu.memory_space<vmem>>, vector<16xf32>,
    %broadcast_in_dim3A_131 = arith.constant 1.000000e+00 : f32
    %broadcast_in_dim3A_132 = vector.broadcast %broadcast_in_dim3A_131 : f32 to vector<16xf32>
    %swap3A_133 = arith.constant 0 : index
    %swap3A_134 = tpu.vector_load %arg10[%swap3A_133] {strides = array<i32>} : memref<96xf32, #tpu.memory_space<vmem>>, vector<16xf32>,
    %swap3A_135 = vector.shape_cast %swap3A_134 : vector<16xf32> to vector<16xf32>
    %swap3A_136 = vector.shape_cast %broadcast_in_dim3A_132 : vector<16xf32> to vector<16xf32>
    tpu.vector_store %arg10[%swap3A_133], %swap3A_136 {strides = array<i32>} : memref<96xf32, #tpu.memory_space<vmem>>, vector<16xf32>,
    %swap3A_137 = arith.constant 16 : index
    %swap3A_138 = tpu.vector_load %arg10[%swap3A_137] {strides = array<i32>} : memref<96xf32, #tpu.memory_space<vmem>>, vector<16xf32>,
    %swap3A_139 = vector.shape_cast %swap3A_138 : vector<16xf32> to vector<16xf32>
    %swap3A_140 = vector.shape_cast %broadcast_in_dim3A_132 : vector<16xf32> to vector<16xf32>
    tpu.vector_store %arg10[%swap3A_137], %swap3A_140 {strides = array<i32>} : memref<96xf32, #tpu.memory_space<vmem>>, vector<16xf32>,
    %swap3A_141 = arith.constant 32 : index
    %swap3A_142 = tpu.vector_load %arg10[%swap3A_141] {strides = array<i32>} : memref<96xf32, #tpu.memory_space<vmem>>, vector<16xf32>,
    %swap3A_143 = vector.shape_cast %swap3A_142 : vector<16xf32> to vector<16xf32>
    %swap3A_144 = vector.shape_cast %broadcast_in_dim3A_132 : vector<16xf32> to vector<16xf32>
    tpu.vector_store %arg10[%swap3A_141], %swap3A_144 {strides = array<i32>} : memref<96xf32, #tpu.memory_space<vmem>>, vector<16xf32>,
    %swap3A_145 = arith.constant 48 : index
    %swap3A_146 = tpu.vector_load %arg10[%swap3A_145] {strides = array<i32>} : memref<96xf32, #tpu.memory_space<vmem>>, vector<16xf32>,
    %swap3A_147 = vector.shape_cast %swap3A_146 : vector<16xf32> to vector<16xf32>
    %swap3A_148 = vector.shape_cast %broadcast_in_dim3A_132 : vector<16xf32> to vector<16xf32>
    tpu.vector_store %arg10[%swap3A_145], %swap3A_148 {strides = array<i32>} : memref<96xf32, #tpu.memory_space<vmem>>, vector<16xf32>,
    %swap3A_149 = arith.constant 64 : index
    %swap3A_150 = tpu.vector_load %arg10[%swap3A_149] {strides = array<i32>} : memref<96xf32, #tpu.memory_space<vmem>>, vector<16xf32>,
    %swap3A_151 = vector.shape_cast %swap3A_150 : vector<16xf32> to vector<16xf32>
    %swap3A_152 = vector.shape_cast %broadcast_in_dim3A_132 : vector<16xf32> to vector<16xf32>
    tpu.vector_store %arg10[%swap3A_149], %swap3A_152 {strides = array<i32>} : memref<96xf32, #tpu.memory_space<vmem>>, vector<16xf32>,
    %swap3A_153 = arith.constant 80 : index
    %swap3A_154 = tpu.vector_load %arg10[%swap3A_153] {strides = array<i32>} : memref<96xf32, #tpu.memory_space<vmem>>, vector<16xf32>,
    %swap3A_155 = vector.shape_cast %swap3A_154 : vector<16xf32> to vector<16xf32>
    %swap3A_156 = vector.shape_cast %broadcast_in_dim3A_132 : vector<16xf32> to vector<16xf32>
    tpu.vector_store %arg10[%swap3A_153], %swap3A_156 {strides = array<i32>} : memref<96xf32, #tpu.memory_space<vmem>>, vector<16xf32>,
    %mul3A_157 = arith.constant 512 : i32
    %mul3A_158 = arith.muli %arg1, %mul3A_157 : i32
    "tpu.region"() ({
      %run_scoped3A = tpu.sem_alloc : memref<!tpu.dma_semaphore, #tpu.memory_space<semaphore_mem>>
      %dma_start3A_200 = tpu.memref_slice %arg12[%mul3A_158] : memref<8192xf32, #tpu.memory_space<vmem_shared>> -> memref<512xf32, #tpu.memory_space<vmem_shared>>
      %dma_start3A_201 = tpu.memref_slice %arg12[%mul3A_158] : memref<8192xf32, #tpu.memory_space<vmem_shared>> -> memref<512xf32, #tpu.memory_space<vmem_shared>>
      tpu.enqueue_dma source(%arg11 : memref<512xf32, #tpu.memory_space<vmem>>) target(%dma_start3A_201 : memref<512xf32, #tpu.memory_space<vmem_shared>>) target_semaphore(%run_scoped3A : memref<!tpu.dma_semaphore, #tpu.memory_space<semaphore_mem>>)
      %dma_wait3A_202 = tpu.memref_slice %arg12[%mul3A_158] : memref<8192xf32, #tpu.memory_space<vmem_shared>> -> memref<512xf32, #tpu.memory_space<vmem_shared>>
      %dma_wait3A_203 = tpu.memref_slice %arg12[%mul3A_158] : memref<8192xf32, #tpu.memory_space<vmem_shared>> -> memref<512xf32, #tpu.memory_space<vmem_shared>>
      tpu.wait_dma2 semaphore(%run_scoped3A : memref<!tpu.dma_semaphore, #tpu.memory_space<semaphore_mem>>) src(%arg11 : memref<512xf32, #tpu.memory_space<vmem>>) dst(%dma_wait3A_203 : memref<512xf32, #tpu.memory_space<vmem_shared>>)
      tpu.yield
    }) : () -> ()
    "tpu.region"() ({
      %run_scoped3A = tpu.sem_alloc : memref<!tpu.dma_semaphore, #tpu.memory_space<semaphore_mem>>
      %dma_start3A_200 = tpu.memref_slice %arg3[%mul3A_2] : memref<9216xi32, #tpu.memory_space<hbm>> -> memref<96xi32, #tpu.memory_space<hbm>>
      %dma_start3A_201 = tpu.memref_slice %arg3[%mul3A_2] : memref<9216xi32, #tpu.memory_space<hbm>> -> memref<96xi32, #tpu.memory_space<hbm>>
      tpu.enqueue_dma source(%dma_start3A_201 : memref<96xi32, #tpu.memory_space<hbm>>) target(%arg6 : memref<96xi32, #tpu.memory_space<vmem>>) target_semaphore(%run_scoped3A : memref<!tpu.dma_semaphore, #tpu.memory_space<semaphore_mem>>)
      %dma_wait3A_202 = tpu.memref_slice %arg3[%mul3A_2] : memref<9216xi32, #tpu.memory_space<hbm>> -> memref<96xi32, #tpu.memory_space<hbm>>
      %dma_wait3A_203 = tpu.memref_slice %arg3[%mul3A_2] : memref<9216xi32, #tpu.memory_space<hbm>> -> memref<96xi32, #tpu.memory_space<hbm>>
      tpu.wait_dma2 semaphore(%run_scoped3A : memref<!tpu.dma_semaphore, #tpu.memory_space<semaphore_mem>>) src(%dma_wait3A_203 : memref<96xi32, #tpu.memory_space<hbm>>) dst(%arg6 : memref<96xi32, #tpu.memory_space<vmem>>)
      tpu.yield
    }) : () -> ()
    %add3A_159 = arith.constant 96 : i32
    %add3A_160 = arith.addi %mul3A_2, %add3A_159 : i32
    "tpu.region"() ({
      %run_scoped3A = tpu.sem_alloc : memref<!tpu.dma_semaphore, #tpu.memory_space<semaphore_mem>>
      %dma_start3A_200 = tpu.memref_slice %arg3[%add3A_160] : memref<9216xi32, #tpu.memory_space<hbm>> -> memref<96xi32, #tpu.memory_space<hbm>>
      %dma_start3A_201 = tpu.memref_slice %arg3[%add3A_160] : memref<9216xi32, #tpu.memory_space<hbm>> -> memref<96xi32, #tpu.memory_space<hbm>>
      tpu.enqueue_dma source(%dma_start3A_201 : memref<96xi32, #tpu.memory_space<hbm>>) target(%arg7 : memref<96xi32, #tpu.memory_space<vmem>>) target_semaphore(%run_scoped3A : memref<!tpu.dma_semaphore, #tpu.memory_space<semaphore_mem>>)
      %dma_wait3A_202 = tpu.memref_slice %arg3[%add3A_160] : memref<9216xi32, #tpu.memory_space<hbm>> -> memref<96xi32, #tpu.memory_space<hbm>>
      %dma_wait3A_203 = tpu.memref_slice %arg3[%add3A_160] : memref<9216xi32, #tpu.memory_space<hbm>> -> memref<96xi32, #tpu.memory_space<hbm>>
      tpu.wait_dma2 semaphore(%run_scoped3A : memref<!tpu.dma_semaphore, #tpu.memory_space<semaphore_mem>>) src(%dma_wait3A_203 : memref<96xi32, #tpu.memory_space<hbm>>) dst(%arg7 : memref<96xi32, #tpu.memory_space<vmem>>)
      tpu.yield
    }) : () -> ()
    %add3A_161 = arith.constant 192 : i32
    %add3A_162 = arith.addi %mul3A_2, %add3A_161 : i32
    "tpu.region"() ({
      %run_scoped3A = tpu.sem_alloc : memref<!tpu.dma_semaphore, #tpu.memory_space<semaphore_mem>>
      %dma_start3A_200 = tpu.memref_slice %arg3[%add3A_162] : memref<9216xi32, #tpu.memory_space<hbm>> -> memref<96xi32, #tpu.memory_space<hbm>>
      %dma_start3A_201 = tpu.memref_slice %arg3[%add3A_162] : memref<9216xi32, #tpu.memory_space<hbm>> -> memref<96xi32, #tpu.memory_space<hbm>>
      tpu.enqueue_dma source(%dma_start3A_201 : memref<96xi32, #tpu.memory_space<hbm>>) target(%arg8 : memref<96xi32, #tpu.memory_space<vmem>>) target_semaphore(%run_scoped3A : memref<!tpu.dma_semaphore, #tpu.memory_space<semaphore_mem>>)
      %dma_wait3A_202 = tpu.memref_slice %arg3[%add3A_162] : memref<9216xi32, #tpu.memory_space<hbm>> -> memref<96xi32, #tpu.memory_space<hbm>>
      %dma_wait3A_203 = tpu.memref_slice %arg3[%add3A_162] : memref<9216xi32, #tpu.memory_space<hbm>> -> memref<96xi32, #tpu.memory_space<hbm>>
      tpu.wait_dma2 semaphore(%run_scoped3A : memref<!tpu.dma_semaphore, #tpu.memory_space<semaphore_mem>>) src(%dma_wait3A_203 : memref<96xi32, #tpu.memory_space<hbm>>) dst(%arg8 : memref<96xi32, #tpu.memory_space<vmem>>)
      tpu.yield
    }) : () -> ()
    %dma_start3A = arith.constant 0 : i32
    %dma_start3A_163 = arith.constant 0 : i32
    %dma_start3A_164 = tpu.memref_slice %arg9[%dma_start3A, %dma_start3A_163] : memref<288x64xf32, #tpu.memory_space<vmem>> -> memref<96x64xf32, #tpu.memory_space<vmem>>
    %dma_start3A_165 = arith.constant 0 : i32
    %dma_start3A_166 = arith.constant 0 : i32
    %dma_start3A_167 = tpu.memref_slice %arg2[%dma_start3A_165, %dma_start3A_166] : memref<8192x64xf32, #tpu.memory_space<hbm>> -> memref<8192x64xf32, #tpu.memory_space<hbm>>
    tpu.enqueue_indirect_dma source(%dma_start3A_167 : memref<8192x64xf32, #tpu.memory_space<hbm>>) target(%dma_start3A_164 : memref<96x64xf32, #tpu.memory_space<vmem>>) offsets(%arg6 : memref<96xi32, #tpu.memory_space<vmem>>) semaphore(%arg13 : memref<!tpu.dma_semaphore, #tpu.memory_space<semaphore_mem>>)
    %dma_start3A_168 = arith.constant 96 : i32
    %dma_start3A_169 = arith.constant 0 : i32
    %dma_start3A_170 = tpu.memref_slice %arg9[%dma_start3A_168, %dma_start3A_169] : memref<288x64xf32, #tpu.memory_space<vmem>> -> memref<96x64xf32, #tpu.memory_space<vmem>>
    %dma_start3A_171 = arith.constant 0 : i32
    %dma_start3A_172 = arith.constant 0 : i32
    %dma_start3A_173 = tpu.memref_slice %arg2[%dma_start3A_171, %dma_start3A_172] : memref<8192x64xf32, #tpu.memory_space<hbm>> -> memref<8192x64xf32, #tpu.memory_space<hbm>>
    tpu.enqueue_indirect_dma source(%dma_start3A_173 : memref<8192x64xf32, #tpu.memory_space<hbm>>) target(%dma_start3A_170 : memref<96x64xf32, #tpu.memory_space<vmem>>) offsets(%arg7 : memref<96xi32, #tpu.memory_space<vmem>>) semaphore(%arg13 : memref<!tpu.dma_semaphore, #tpu.memory_space<semaphore_mem>>)
    %dma_start3A_174 = arith.constant 192 : i32
    %dma_start3A_175 = arith.constant 0 : i32
    %dma_start3A_176 = tpu.memref_slice %arg9[%dma_start3A_174, %dma_start3A_175] : memref<288x64xf32, #tpu.memory_space<vmem>> -> memref<96x64xf32, #tpu.memory_space<vmem>>
    %dma_start3A_177 = arith.constant 0 : i32
    %dma_start3A_178 = arith.constant 0 : i32
    %dma_start3A_179 = tpu.memref_slice %arg2[%dma_start3A_177, %dma_start3A_178] : memref<8192x64xf32, #tpu.memory_space<hbm>> -> memref<8192x64xf32, #tpu.memory_space<hbm>>
    tpu.enqueue_indirect_dma source(%dma_start3A_179 : memref<8192x64xf32, #tpu.memory_space<hbm>>) target(%dma_start3A_176 : memref<96x64xf32, #tpu.memory_space<vmem>>) offsets(%arg8 : memref<96xi32, #tpu.memory_space<vmem>>) semaphore(%arg13 : memref<!tpu.dma_semaphore, #tpu.memory_space<semaphore_mem>>)
    %dma_wait3A = arith.constant 0 : i32
    %dma_wait3A_180 = arith.constant 0 : i32
    %dma_wait3A_181 = tpu.memref_slice %arg9[%dma_wait3A, %dma_wait3A_180] : memref<288x64xf32, #tpu.memory_space<vmem>> -> memref<96x64xf32, #tpu.memory_space<vmem>>
    %dma_wait3A_182 = arith.constant 0 : i32
    %dma_wait3A_183 = arith.constant 0 : i32
    %dma_wait3A_184 = tpu.memref_slice %arg2[%dma_wait3A_182, %dma_wait3A_183] : memref<8192x64xf32, #tpu.memory_space<hbm>> -> memref<8192x64xf32, #tpu.memory_space<hbm>>
    tpu.wait_indirect_dma semaphore(%arg13 : memref<!tpu.dma_semaphore, #tpu.memory_space<semaphore_mem>>) src(%dma_wait3A_184 : memref<8192x64xf32, #tpu.memory_space<hbm>>) dst(%dma_wait3A_181 : memref<96x64xf32, #tpu.memory_space<vmem>>)
    %dma_wait3A_185 = arith.constant 96 : i32
    %dma_wait3A_186 = arith.constant 0 : i32
    %dma_wait3A_187 = tpu.memref_slice %arg9[%dma_wait3A_185, %dma_wait3A_186] : memref<288x64xf32, #tpu.memory_space<vmem>> -> memref<96x64xf32, #tpu.memory_space<vmem>>
    %dma_wait3A_188 = arith.constant 0 : i32
    %dma_wait3A_189 = arith.constant 0 : i32
    %dma_wait3A_190 = tpu.memref_slice %arg2[%dma_wait3A_188, %dma_wait3A_189] : memref<8192x64xf32, #tpu.memory_space<hbm>> -> memref<8192x64xf32, #tpu.memory_space<hbm>>
    tpu.wait_indirect_dma semaphore(%arg13 : memref<!tpu.dma_semaphore, #tpu.memory_space<semaphore_mem>>) src(%dma_wait3A_190 : memref<8192x64xf32, #tpu.memory_space<hbm>>) dst(%dma_wait3A_187 : memref<96x64xf32, #tpu.memory_space<vmem>>)
    %dma_wait3A_191 = arith.constant 192 : i32
    %dma_wait3A_192 = arith.constant 0 : i32
    %dma_wait3A_193 = tpu.memref_slice %arg9[%dma_wait3A_191, %dma_wait3A_192] : memref<288x64xf32, #tpu.memory_space<vmem>> -> memref<96x64xf32, #tpu.memory_space<vmem>>
    %dma_wait3A_194 = arith.constant 0 : i32
    %dma_wait3A_195 = arith.constant 0 : i32
    %dma_wait3A_196 = tpu.memref_slice %arg2[%dma_wait3A_194, %dma_wait3A_195] : memref<8192x64xf32, #tpu.memory_space<hbm>> -> memref<8192x64xf32, #tpu.memory_space<hbm>>
    tpu.wait_indirect_dma semaphore(%arg13 : memref<!tpu.dma_semaphore, #tpu.memory_space<semaphore_mem>>) src(%dma_wait3A_196 : memref<8192x64xf32, #tpu.memory_space<hbm>>) dst(%dma_wait3A_193 : memref<96x64xf32, #tpu.memory_space<vmem>>)
    "tpu.region"() ({
      %run_scoped3A = tpu.sem_alloc : memref<!tpu.dma_semaphore, #tpu.memory_space<semaphore_mem>>
      %dma_start3A_200 = arith.constant 0 : i32
      %dma_start3A_201 = tpu.memref_slice %arg4[%mul3A_2, %dma_start3A_200] : memref<9216x64xf32, #tpu.memory_space<hbm>> -> memref<288x64xf32, #tpu.memory_space<hbm>>
      %dma_start3A_202 = arith.constant 0 : i32
      %dma_start3A_203 = tpu.memref_slice %arg4[%mul3A_2, %dma_start3A_202] : memref<9216x64xf32, #tpu.memory_space<hbm>> -> memref<288x64xf32, #tpu.memory_space<hbm>>
      tpu.enqueue_dma source(%arg9 : memref<288x64xf32, #tpu.memory_space<vmem>>) target(%dma_start3A_203 : memref<288x64xf32, #tpu.memory_space<hbm>>) target_semaphore(%run_scoped3A : memref<!tpu.dma_semaphore, #tpu.memory_space<semaphore_mem>>)
      %dma_wait3A_204 = arith.constant 0 : i32
      %dma_wait3A_205 = tpu.memref_slice %arg4[%mul3A_2, %dma_wait3A_204] : memref<9216x64xf32, #tpu.memory_space<hbm>> -> memref<288x64xf32, #tpu.memory_space<hbm>>
      %dma_wait3A_206 = arith.constant 0 : i32
      %dma_wait3A_207 = tpu.memref_slice %arg4[%mul3A_2, %dma_wait3A_206] : memref<9216x64xf32, #tpu.memory_space<hbm>> -> memref<288x64xf32, #tpu.memory_space<hbm>>
      tpu.wait_dma2 semaphore(%run_scoped3A : memref<!tpu.dma_semaphore, #tpu.memory_space<semaphore_mem>>) src(%arg9 : memref<288x64xf32, #tpu.memory_space<vmem>>) dst(%dma_wait3A_207 : memref<288x64xf32, #tpu.memory_space<hbm>>)
      tpu.yield
    }) : () -> ()
    %barrier3A = arith.constant 0 : index
    tpu.barrier barrier_id(%barrier3A)
    "tpu.region"() ({
      %run_scoped3A = tpu.sem_alloc : memref<!tpu.dma_semaphore, #tpu.memory_space<semaphore_mem>>
      %dma_start3A_200 = arith.constant 0 : i32
      %dma_start3A_201 = tpu.memref_slice %arg12[%dma_start3A_200] : memref<8192xf32, #tpu.memory_space<vmem_shared>> -> memref<8192xf32, #tpu.memory_space<vmem_shared>>
      tpu.enqueue_indirect_dma source(%arg10 : memref<96xf32, #tpu.memory_space<vmem>>) target(%dma_start3A_201 : memref<8192xf32, #tpu.memory_space<vmem_shared>>) offsets(%arg6 : memref<96xi32, #tpu.memory_space<vmem>>) semaphore(%run_scoped3A : memref<!tpu.dma_semaphore, #tpu.memory_space<semaphore_mem>>) {add = true}
      %dma_wait3A_202 = arith.constant 0 : i32
      %dma_wait3A_203 = tpu.memref_slice %arg12[%dma_wait3A_202] : memref<8192xf32, #tpu.memory_space<vmem_shared>> -> memref<8192xf32, #tpu.memory_space<vmem_shared>>
      tpu.wait_indirect_dma semaphore(%run_scoped3A : memref<!tpu.dma_semaphore, #tpu.memory_space<semaphore_mem>>) src(%arg10 : memref<96xf32, #tpu.memory_space<vmem>>) dst(%dma_wait3A_203 : memref<8192xf32, #tpu.memory_space<vmem_shared>>)
      tpu.yield
    }) : () -> ()
    "tpu.region"() ({
      %run_scoped3A = tpu.sem_alloc : memref<!tpu.dma_semaphore, #tpu.memory_space<semaphore_mem>>
      %dma_start3A_200 = arith.constant 0 : i32
      %dma_start3A_201 = tpu.memref_slice %arg12[%dma_start3A_200] : memref<8192xf32, #tpu.memory_space<vmem_shared>> -> memref<8192xf32, #tpu.memory_space<vmem_shared>>
      tpu.enqueue_indirect_dma source(%arg10 : memref<96xf32, #tpu.memory_space<vmem>>) target(%dma_start3A_201 : memref<8192xf32, #tpu.memory_space<vmem_shared>>) offsets(%arg7 : memref<96xi32, #tpu.memory_space<vmem>>) semaphore(%run_scoped3A : memref<!tpu.dma_semaphore, #tpu.memory_space<semaphore_mem>>) {add = true}
      %dma_wait3A_202 = arith.constant 0 : i32
      %dma_wait3A_203 = tpu.memref_slice %arg12[%dma_wait3A_202] : memref<8192xf32, #tpu.memory_space<vmem_shared>> -> memref<8192xf32, #tpu.memory_space<vmem_shared>>
      tpu.wait_indirect_dma semaphore(%run_scoped3A : memref<!tpu.dma_semaphore, #tpu.memory_space<semaphore_mem>>) src(%arg10 : memref<96xf32, #tpu.memory_space<vmem>>) dst(%dma_wait3A_203 : memref<8192xf32, #tpu.memory_space<vmem_shared>>)
      tpu.yield
    }) : () -> ()
    "tpu.region"() ({
      %run_scoped3A = tpu.sem_alloc : memref<!tpu.dma_semaphore, #tpu.memory_space<semaphore_mem>>
      %dma_start3A_200 = arith.constant 0 : i32
      %dma_start3A_201 = tpu.memref_slice %arg12[%dma_start3A_200] : memref<8192xf32, #tpu.memory_space<vmem_shared>> -> memref<8192xf32, #tpu.memory_space<vmem_shared>>
      tpu.enqueue_indirect_dma source(%arg10 : memref<96xf32, #tpu.memory_space<vmem>>) target(%dma_start3A_201 : memref<8192xf32, #tpu.memory_space<vmem_shared>>) offsets(%arg8 : memref<96xi32, #tpu.memory_space<vmem>>) semaphore(%run_scoped3A : memref<!tpu.dma_semaphore, #tpu.memory_space<semaphore_mem>>) {add = true}
      %dma_wait3A_202 = arith.constant 0 : i32
      %dma_wait3A_203 = tpu.memref_slice %arg12[%dma_wait3A_202] : memref<8192xf32, #tpu.memory_space<vmem_shared>> -> memref<8192xf32, #tpu.memory_space<vmem_shared>>
      tpu.wait_indirect_dma semaphore(%run_scoped3A : memref<!tpu.dma_semaphore, #tpu.memory_space<semaphore_mem>>) src(%arg10 : memref<96xf32, #tpu.memory_space<vmem>>) dst(%dma_wait3A_203 : memref<8192xf32, #tpu.memory_space<vmem_shared>>)
      tpu.yield
    }) : () -> ()
    %barrier3A_197 = arith.constant 0 : index
    tpu.barrier barrier_id(%barrier3A_197)
    %eq3A = arith.constant 0 : i32
    %eq3A_198 = arith.cmpi eq, %arg1, %eq3A : i32
    %convert_element_type3A = arith.extui %eq3A_198 : i1 to i32
    %cond3A = arith.constant 0 : i32
    %cond3A_199 = arith.cmpi ne, %convert_element_type3A, %cond3A : i32
    scf.if %cond3A_199 {
      "tpu.region"() ({
        %run_scoped3A = tpu.sem_alloc : memref<!tpu.dma_semaphore, #tpu.memory_space<semaphore_mem>>
        %dma_start3A_200 = arith.constant 0 : i32
        %dma_start3A_201 = tpu.memref_slice %arg5[%arg0, %dma_start3A_200] : memref<2x8192xf32, #tpu.memory_space<hbm>> -> memref<1x8192xf32, #tpu.memory_space<hbm>>
        %dma_start3A_202 = tpu.memref_squeeze %dma_start3A_201 : memref<1x8192xf32, #tpu.memory_space<hbm>> -> memref<8192xf32, #tpu.memory_space<hbm>>
        tpu.enqueue_dma source(%arg12 : memref<8192xf32, #tpu.memory_space<vmem_shared>>) target(%dma_start3A_202 : memref<8192xf32, #tpu.memory_space<hbm>>) target_semaphore(%run_scoped3A : memref<!tpu.dma_semaphore, #tpu.memory_space<semaphore_mem>>)
        %dma_wait3A_203 = arith.constant 0 : i32
        %dma_wait3A_204 = tpu.memref_slice %arg5[%arg0, %dma_wait3A_203] : memref<2x8192xf32, #tpu.memory_space<hbm>> -> memref<1x8192xf32, #tpu.memory_space<hbm>>
        %dma_wait3A_205 = tpu.memref_squeeze %dma_wait3A_204 : memref<1x8192xf32, #tpu.memory_space<hbm>> -> memref<8192xf32, #tpu.memory_space<hbm>>
        tpu.wait_dma2 semaphore(%run_scoped3A : memref<!tpu.dma_semaphore, #tpu.memory_space<semaphore_mem>>) src(%arg12 : memref<8192xf32, #tpu.memory_space<vmem_shared>>) dst(%dma_wait3A_205 : memref<8192xf32, #tpu.memory_space<hbm>>)
        tpu.yield
      }) : () -> ()
    } else {
    }
    return
  }
}

module attributes {stable_mosaic.version = 14 : i64} {
  func.func @_argmin_body(%arg0: i32, %arg1: memref<1024x64xf32, #tpu.memory_space<vmem>>, %arg2: memref<1024x1xf32, #tpu.memory_space<vmem>>, %arg3: memref<8192x64xf32, #tpu.memory_space<vmem>>, %arg4: memref<1x8192xf32, #tpu.memory_space<vmem>>, %arg5: memref<1024xi32, #tpu.memory_space<vmem>>, %arg6: memref<1x1xf32, #tpu.memory_space<smem>>) attributes {dimension_semantics = [#tpu.dimension_semantics<arbitrary>], iteration_bounds = array<i64: 9>, scalar_prefetch = 0 : i64, scratch_operands = 0 : i64, tpu.core_type = #tpu.core_type<tc>, window_params = [{transform_indices = @transform_0, window_bounds = array<i64: 1024, 64>}, {transform_indices = @transform_1, window_bounds = array<i64: 1024, 1>}, {pipeline_mode = #tpu.pipeline_mode<synchronous>, transform_indices = @transform_2, window_bounds = array<i64: 8192, 64>}, {pipeline_mode = #tpu.pipeline_mode<synchronous>, transform_indices = @transform_3, window_bounds = array<i64: 1, 8192>}, {transform_indices = @transform_4, window_bounds = array<i64: 1024>}, {transform_indices = @transform_5, window_bounds = array<i64: 1, 1>}]} {
    %get3A = arith.constant 0 : index
    %get3A_0 = arith.constant 0 : index
    %get3A_1 = vector.load %arg1[%get3A, %get3A_0] : memref<1024x64xf32, #tpu.memory_space<vmem>>, vector<1024x64xf32>
    %mul3A = arith.constant 2.000000e+00 : f32
    %mul3A_2 = vector.broadcast %mul3A : f32 to vector<1024x64xf32>
    %mul3A_3 = arith.mulf %get3A_1, %mul3A_2 : vector<1024x64xf32>
    %get3A_4 = arith.constant 0 : index
    %get3A_5 = arith.constant 0 : index
    %get3A_6 = vector.load %arg2[%get3A_4, %get3A_5] : memref<1024x1xf32, #tpu.memory_space<vmem>>, vector<1024x1xf32>
    %get3A_7 = arith.constant 0 : index
    %get3A_8 = arith.constant 0 : index
    %get3A_9 = vector.load %arg3[%get3A_7, %get3A_8] : memref<8192x64xf32, #tpu.memory_space<vmem>>, vector<256x64xf32>
    %dot_general3A = arith.constant dense<0.000000e+00> : vector<1024x256xf32>
    %dot_general3A_10 = tpu.matmul %mul3A_3, %get3A_9, %dot_general3A {dimension_numbers = #tpu.dot_dimension_numbers<[1], [1], [0], [0], [0, 0, 1, 0], [], []>, transpose_lhs_hint = false} : vector<1024x64xf32>, vector<256x64xf32>, vector<1024x256xf32> -> vector<1024x256xf32>
    %get3A_11 = arith.constant 0 : index
    %get3A_12 = arith.constant 0 : index
    %get3A_13 = vector.load %arg4[%get3A_11, %get3A_12] : memref<1x8192xf32, #tpu.memory_space<vmem>>, vector<1x128xf32>
    %add3A = vector.broadcast %get3A_6 : vector<1024x1xf32> to vector<1024x128xf32>
    %add3A_14 = vector.broadcast %get3A_13 : vector<1x128xf32> to vector<1024x128xf32>
    %add3A_15 = arith.addf %add3A, %add3A_14 : vector<1024x128xf32>
    %slice3A = vector.extract_strided_slice %dot_general3A_10 {offsets = [0, 0], sizes = [1024, 128], strides = [1, 1]} : vector<1024x256xf32> to vector<1024x128xf32>
    %sub3A = arith.subf %add3A_15, %slice3A : vector<1024x128xf32>
    %broadcast_in_dim3A = arith.constant 0 : i32
    %broadcast_in_dim3A_16 = vector.broadcast %broadcast_in_dim3A : i32 to vector<1024x128xi32>
    %get3A_17 = arith.constant 0 : index
    %get3A_18 = arith.constant 128 : index
    %get3A_19 = vector.load %arg4[%get3A_17, %get3A_18] : memref<1x8192xf32, #tpu.memory_space<vmem>>, vector<1x128xf32>
    %add3A_20 = vector.broadcast %get3A_6 : vector<1024x1xf32> to vector<1024x128xf32>
    %add3A_21 = vector.broadcast %get3A_19 : vector<1x128xf32> to vector<1024x128xf32>
    %add3A_22 = arith.addf %add3A_20, %add3A_21 : vector<1024x128xf32>
    %slice3A_23 = vector.extract_strided_slice %dot_general3A_10 {offsets = [0, 128], sizes = [1024, 128], strides = [1, 1]} : vector<1024x256xf32> to vector<1024x128xf32>
    %sub3A_24 = arith.subf %add3A_22, %slice3A_23 : vector<1024x128xf32>
    %lt3A = arith.cmpf olt, %sub3A_24, %sub3A : vector<1024x128xf32>
    %jit3A = arith.constant 1 : i32
    %broadcast_in_dim3A_25 = vector.broadcast %jit3A : i32 to vector<1024x128xi32>
    %select_n3A = arith.select %lt3A, %broadcast_in_dim3A_25, %broadcast_in_dim3A_16 : vector<1024x128xi1>, vector<1024x128xi32>
    %min3A = arith.minimumf %sub3A_24, %sub3A : vector<1024x128xf32>
    %get3A_26 = arith.constant 256 : index
    %get3A_27 = arith.constant 0 : index
    %get3A_28 = vector.load %arg3[%get3A_26, %get3A_27] : memref<8192x64xf32, #tpu.memory_space<vmem>>, vector<256x64xf32>
    %dot_general3A_29 = arith.constant dense<0.000000e+00> : vector<1024x256xf32>
    %dot_general3A_30 = tpu.matmul %mul3A_3, %get3A_28, %dot_general3A_29 {dimension_numbers = #tpu.dot_dimension_numbers<[1], [1], [0], [0], [0, 0, 1, 0], [], []>, transpose_lhs_hint = false} : vector<1024x64xf32>, vector<256x64xf32>, vector<1024x256xf32> -> vector<1024x256xf32>
    %get3A_31 = arith.constant 0 : index
    %get3A_32 = arith.constant 256 : index
    %get3A_33 = vector.load %arg4[%get3A_31, %get3A_32] : memref<1x8192xf32, #tpu.memory_space<vmem>>, vector<1x128xf32>
    %add3A_34 = vector.broadcast %get3A_6 : vector<1024x1xf32> to vector<1024x128xf32>
    %add3A_35 = vector.broadcast %get3A_33 : vector<1x128xf32> to vector<1024x128xf32>
    %add3A_36 = arith.addf %add3A_34, %add3A_35 : vector<1024x128xf32>
    %slice3A_37 = vector.extract_strided_slice %dot_general3A_30 {offsets = [0, 0], sizes = [1024, 128], strides = [1, 1]} : vector<1024x256xf32> to vector<1024x128xf32>
    %sub3A_38 = arith.subf %add3A_36, %slice3A_37 : vector<1024x128xf32>
    %lt3A_39 = arith.cmpf olt, %sub3A_38, %min3A : vector<1024x128xf32>
    %jit3A_40 = arith.constant 2 : i32
    %broadcast_in_dim3A_41 = vector.broadcast %jit3A_40 : i32 to vector<1024x128xi32>
    %select_n3A_42 = arith.select %lt3A_39, %broadcast_in_dim3A_41, %select_n3A : vector<1024x128xi1>, vector<1024x128xi32>
    %min3A_43 = arith.minimumf %sub3A_38, %min3A : vector<1024x128xf32>
    %get3A_44 = arith.constant 0 : index
    %get3A_45 = arith.constant 384 : index
    %get3A_46 = vector.load %arg4[%get3A_44, %get3A_45] : memref<1x8192xf32, #tpu.memory_space<vmem>>, vector<1x128xf32>
    %add3A_47 = vector.broadcast %get3A_6 : vector<1024x1xf32> to vector<1024x128xf32>
    %add3A_48 = vector.broadcast %get3A_46 : vector<1x128xf32> to vector<1024x128xf32>
    %add3A_49 = arith.addf %add3A_47, %add3A_48 : vector<1024x128xf32>
    %slice3A_50 = vector.extract_strided_slice %dot_general3A_30 {offsets = [0, 128], sizes = [1024, 128], strides = [1, 1]} : vector<1024x256xf32> to vector<1024x128xf32>
    %sub3A_51 = arith.subf %add3A_49, %slice3A_50 : vector<1024x128xf32>
    %lt3A_52 = arith.cmpf olt, %sub3A_51, %min3A_43 : vector<1024x128xf32>
    %jit3A_53 = arith.constant 3 : i32
    %broadcast_in_dim3A_54 = vector.broadcast %jit3A_53 : i32 to vector<1024x128xi32>
    %select_n3A_55 = arith.select %lt3A_52, %broadcast_in_dim3A_54, %select_n3A_42 : vector<1024x128xi1>, vector<1024x128xi32>
    %min3A_56 = arith.minimumf %sub3A_51, %min3A_43 : vector<1024x128xf32>
    %get3A_57 = arith.constant 512 : index
    %get3A_58 = arith.constant 0 : index
    %get3A_59 = vector.load %arg3[%get3A_57, %get3A_58] : memref<8192x64xf32, #tpu.memory_space<vmem>>, vector<256x64xf32>
    %dot_general3A_60 = arith.constant dense<0.000000e+00> : vector<1024x256xf32>
    %dot_general3A_61 = tpu.matmul %mul3A_3, %get3A_59, %dot_general3A_60 {dimension_numbers = #tpu.dot_dimension_numbers<[1], [1], [0], [0], [0, 0, 1, 0], [], []>, transpose_lhs_hint = false} : vector<1024x64xf32>, vector<256x64xf32>, vector<1024x256xf32> -> vector<1024x256xf32>
    %get3A_62 = arith.constant 0 : index
    %get3A_63 = arith.constant 512 : index
    %get3A_64 = vector.load %arg4[%get3A_62, %get3A_63] : memref<1x8192xf32, #tpu.memory_space<vmem>>, vector<1x128xf32>
    %add3A_65 = vector.broadcast %get3A_6 : vector<1024x1xf32> to vector<1024x128xf32>
    %add3A_66 = vector.broadcast %get3A_64 : vector<1x128xf32> to vector<1024x128xf32>
    %add3A_67 = arith.addf %add3A_65, %add3A_66 : vector<1024x128xf32>
    %slice3A_68 = vector.extract_strided_slice %dot_general3A_61 {offsets = [0, 0], sizes = [1024, 128], strides = [1, 1]} : vector<1024x256xf32> to vector<1024x128xf32>
    %sub3A_69 = arith.subf %add3A_67, %slice3A_68 : vector<1024x128xf32>
    %lt3A_70 = arith.cmpf olt, %sub3A_69, %min3A_56 : vector<1024x128xf32>
    %jit3A_71 = arith.constant 4 : i32
    %broadcast_in_dim3A_72 = vector.broadcast %jit3A_71 : i32 to vector<1024x128xi32>
    %select_n3A_73 = arith.select %lt3A_70, %broadcast_in_dim3A_72, %select_n3A_55 : vector<1024x128xi1>, vector<1024x128xi32>
    %min3A_74 = arith.minimumf %sub3A_69, %min3A_56 : vector<1024x128xf32>
    %get3A_75 = arith.constant 0 : index
    %get3A_76 = arith.constant 640 : index
    %get3A_77 = vector.load %arg4[%get3A_75, %get3A_76] : memref<1x8192xf32, #tpu.memory_space<vmem>>, vector<1x128xf32>
    %add3A_78 = vector.broadcast %get3A_6 : vector<1024x1xf32> to vector<1024x128xf32>
    %add3A_79 = vector.broadcast %get3A_77 : vector<1x128xf32> to vector<1024x128xf32>
    %add3A_80 = arith.addf %add3A_78, %add3A_79 : vector<1024x128xf32>
    %slice3A_81 = vector.extract_strided_slice %dot_general3A_61 {offsets = [0, 128], sizes = [1024, 128], strides = [1, 1]} : vector<1024x256xf32> to vector<1024x128xf32>
    %sub3A_82 = arith.subf %add3A_80, %slice3A_81 : vector<1024x128xf32>
    %lt3A_83 = arith.cmpf olt, %sub3A_82, %min3A_74 : vector<1024x128xf32>
    %jit3A_84 = arith.constant 5 : i32
    %broadcast_in_dim3A_85 = vector.broadcast %jit3A_84 : i32 to vector<1024x128xi32>
    %select_n3A_86 = arith.select %lt3A_83, %broadcast_in_dim3A_85, %select_n3A_73 : vector<1024x128xi1>, vector<1024x128xi32>
    %min3A_87 = arith.minimumf %sub3A_82, %min3A_74 : vector<1024x128xf32>
    %get3A_88 = arith.constant 768 : index
    %get3A_89 = arith.constant 0 : index
    %get3A_90 = vector.load %arg3[%get3A_88, %get3A_89] : memref<8192x64xf32, #tpu.memory_space<vmem>>, vector<256x64xf32>
    %dot_general3A_91 = arith.constant dense<0.000000e+00> : vector<1024x256xf32>
    %dot_general3A_92 = tpu.matmul %mul3A_3, %get3A_90, %dot_general3A_91 {dimension_numbers = #tpu.dot_dimension_numbers<[1], [1], [0], [0], [0, 0, 1, 0], [], []>, transpose_lhs_hint = false} : vector<1024x64xf32>, vector<256x64xf32>, vector<1024x256xf32> -> vector<1024x256xf32>
    %get3A_93 = arith.constant 0 : index
    %get3A_94 = arith.constant 768 : index
    %get3A_95 = vector.load %arg4[%get3A_93, %get3A_94] : memref<1x8192xf32, #tpu.memory_space<vmem>>, vector<1x128xf32>
    %add3A_96 = vector.broadcast %get3A_6 : vector<1024x1xf32> to vector<1024x128xf32>
    %add3A_97 = vector.broadcast %get3A_95 : vector<1x128xf32> to vector<1024x128xf32>
    %add3A_98 = arith.addf %add3A_96, %add3A_97 : vector<1024x128xf32>
    %slice3A_99 = vector.extract_strided_slice %dot_general3A_92 {offsets = [0, 0], sizes = [1024, 128], strides = [1, 1]} : vector<1024x256xf32> to vector<1024x128xf32>
    %sub3A_100 = arith.subf %add3A_98, %slice3A_99 : vector<1024x128xf32>
    %lt3A_101 = arith.cmpf olt, %sub3A_100, %min3A_87 : vector<1024x128xf32>
    %jit3A_102 = arith.constant 6 : i32
    %broadcast_in_dim3A_103 = vector.broadcast %jit3A_102 : i32 to vector<1024x128xi32>
    %select_n3A_104 = arith.select %lt3A_101, %broadcast_in_dim3A_103, %select_n3A_86 : vector<1024x128xi1>, vector<1024x128xi32>
    %min3A_105 = arith.minimumf %sub3A_100, %min3A_87 : vector<1024x128xf32>
    %get3A_106 = arith.constant 0 : index
    %get3A_107 = arith.constant 896 : index
    %get3A_108 = vector.load %arg4[%get3A_106, %get3A_107] : memref<1x8192xf32, #tpu.memory_space<vmem>>, vector<1x128xf32>
    %add3A_109 = vector.broadcast %get3A_6 : vector<1024x1xf32> to vector<1024x128xf32>
    %add3A_110 = vector.broadcast %get3A_108 : vector<1x128xf32> to vector<1024x128xf32>
    %add3A_111 = arith.addf %add3A_109, %add3A_110 : vector<1024x128xf32>
    %slice3A_112 = vector.extract_strided_slice %dot_general3A_92 {offsets = [0, 128], sizes = [1024, 128], strides = [1, 1]} : vector<1024x256xf32> to vector<1024x128xf32>
    %sub3A_113 = arith.subf %add3A_111, %slice3A_112 : vector<1024x128xf32>
    %lt3A_114 = arith.cmpf olt, %sub3A_113, %min3A_105 : vector<1024x128xf32>
    %jit3A_115 = arith.constant 7 : i32
    %broadcast_in_dim3A_116 = vector.broadcast %jit3A_115 : i32 to vector<1024x128xi32>
    %select_n3A_117 = arith.select %lt3A_114, %broadcast_in_dim3A_116, %select_n3A_104 : vector<1024x128xi1>, vector<1024x128xi32>
    %min3A_118 = arith.minimumf %sub3A_113, %min3A_105 : vector<1024x128xf32>
    %get3A_119 = arith.constant 1024 : index
    %get3A_120 = arith.constant 0 : index
    %get3A_121 = vector.load %arg3[%get3A_119, %get3A_120] : memref<8192x64xf32, #tpu.memory_space<vmem>>, vector<256x64xf32>
    %dot_general3A_122 = arith.constant dense<0.000000e+00> : vector<1024x256xf32>
    %dot_general3A_123 = tpu.matmul %mul3A_3, %get3A_121, %dot_general3A_122 {dimension_numbers = #tpu.dot_dimension_numbers<[1], [1], [0], [0], [0, 0, 1, 0], [], []>, transpose_lhs_hint = false} : vector<1024x64xf32>, vector<256x64xf32>, vector<1024x256xf32> -> vector<1024x256xf32>
    %get3A_124 = arith.constant 0 : index
    %get3A_125 = arith.constant 1024 : index
    %get3A_126 = vector.load %arg4[%get3A_124, %get3A_125] : memref<1x8192xf32, #tpu.memory_space<vmem>>, vector<1x128xf32>
    %add3A_127 = vector.broadcast %get3A_6 : vector<1024x1xf32> to vector<1024x128xf32>
    %add3A_128 = vector.broadcast %get3A_126 : vector<1x128xf32> to vector<1024x128xf32>
    %add3A_129 = arith.addf %add3A_127, %add3A_128 : vector<1024x128xf32>
    %slice3A_130 = vector.extract_strided_slice %dot_general3A_123 {offsets = [0, 0], sizes = [1024, 128], strides = [1, 1]} : vector<1024x256xf32> to vector<1024x128xf32>
    %sub3A_131 = arith.subf %add3A_129, %slice3A_130 : vector<1024x128xf32>
    %lt3A_132 = arith.cmpf olt, %sub3A_131, %min3A_118 : vector<1024x128xf32>
    %jit3A_133 = arith.constant 8 : i32
    %broadcast_in_dim3A_134 = vector.broadcast %jit3A_133 : i32 to vector<1024x128xi32>
    %select_n3A_135 = arith.select %lt3A_132, %broadcast_in_dim3A_134, %select_n3A_117 : vector<1024x128xi1>, vector<1024x128xi32>
    %min3A_136 = arith.minimumf %sub3A_131, %min3A_118 : vector<1024x128xf32>
    %get3A_137 = arith.constant 0 : index
    %get3A_138 = arith.constant 1152 : index
    %get3A_139 = vector.load %arg4[%get3A_137, %get3A_138] : memref<1x8192xf32, #tpu.memory_space<vmem>>, vector<1x128xf32>
    %add3A_140 = vector.broadcast %get3A_6 : vector<1024x1xf32> to vector<1024x128xf32>
    %add3A_141 = vector.broadcast %get3A_139 : vector<1x128xf32> to vector<1024x128xf32>
    %add3A_142 = arith.addf %add3A_140, %add3A_141 : vector<1024x128xf32>
    %slice3A_143 = vector.extract_strided_slice %dot_general3A_123 {offsets = [0, 128], sizes = [1024, 128], strides = [1, 1]} : vector<1024x256xf32> to vector<1024x128xf32>
    %sub3A_144 = arith.subf %add3A_142, %slice3A_143 : vector<1024x128xf32>
    %lt3A_145 = arith.cmpf olt, %sub3A_144, %min3A_136 : vector<1024x128xf32>
    %jit3A_146 = arith.constant 9 : i32
    %broadcast_in_dim3A_147 = vector.broadcast %jit3A_146 : i32 to vector<1024x128xi32>
    %select_n3A_148 = arith.select %lt3A_145, %broadcast_in_dim3A_147, %select_n3A_135 : vector<1024x128xi1>, vector<1024x128xi32>
    %min3A_149 = arith.minimumf %sub3A_144, %min3A_136 : vector<1024x128xf32>
    %get3A_150 = arith.constant 1280 : index
    %get3A_151 = arith.constant 0 : index
    %get3A_152 = vector.load %arg3[%get3A_150, %get3A_151] : memref<8192x64xf32, #tpu.memory_space<vmem>>, vector<256x64xf32>
    %dot_general3A_153 = arith.constant dense<0.000000e+00> : vector<1024x256xf32>
    %dot_general3A_154 = tpu.matmul %mul3A_3, %get3A_152, %dot_general3A_153 {dimension_numbers = #tpu.dot_dimension_numbers<[1], [1], [0], [0], [0, 0, 1, 0], [], []>, transpose_lhs_hint = false} : vector<1024x64xf32>, vector<256x64xf32>, vector<1024x256xf32> -> vector<1024x256xf32>
    %get3A_155 = arith.constant 0 : index
    %get3A_156 = arith.constant 1280 : index
    %get3A_157 = vector.load %arg4[%get3A_155, %get3A_156] : memref<1x8192xf32, #tpu.memory_space<vmem>>, vector<1x128xf32>
    %add3A_158 = vector.broadcast %get3A_6 : vector<1024x1xf32> to vector<1024x128xf32>
    %add3A_159 = vector.broadcast %get3A_157 : vector<1x128xf32> to vector<1024x128xf32>
    %add3A_160 = arith.addf %add3A_158, %add3A_159 : vector<1024x128xf32>
    %slice3A_161 = vector.extract_strided_slice %dot_general3A_154 {offsets = [0, 0], sizes = [1024, 128], strides = [1, 1]} : vector<1024x256xf32> to vector<1024x128xf32>
    %sub3A_162 = arith.subf %add3A_160, %slice3A_161 : vector<1024x128xf32>
    %lt3A_163 = arith.cmpf olt, %sub3A_162, %min3A_149 : vector<1024x128xf32>
    %jit3A_164 = arith.constant 10 : i32
    %broadcast_in_dim3A_165 = vector.broadcast %jit3A_164 : i32 to vector<1024x128xi32>
    %select_n3A_166 = arith.select %lt3A_163, %broadcast_in_dim3A_165, %select_n3A_148 : vector<1024x128xi1>, vector<1024x128xi32>
    %min3A_167 = arith.minimumf %sub3A_162, %min3A_149 : vector<1024x128xf32>
    %get3A_168 = arith.constant 0 : index
    %get3A_169 = arith.constant 1408 : index
    %get3A_170 = vector.load %arg4[%get3A_168, %get3A_169] : memref<1x8192xf32, #tpu.memory_space<vmem>>, vector<1x128xf32>
    %add3A_171 = vector.broadcast %get3A_6 : vector<1024x1xf32> to vector<1024x128xf32>
    %add3A_172 = vector.broadcast %get3A_170 : vector<1x128xf32> to vector<1024x128xf32>
    %add3A_173 = arith.addf %add3A_171, %add3A_172 : vector<1024x128xf32>
    %slice3A_174 = vector.extract_strided_slice %dot_general3A_154 {offsets = [0, 128], sizes = [1024, 128], strides = [1, 1]} : vector<1024x256xf32> to vector<1024x128xf32>
    %sub3A_175 = arith.subf %add3A_173, %slice3A_174 : vector<1024x128xf32>
    %lt3A_176 = arith.cmpf olt, %sub3A_175, %min3A_167 : vector<1024x128xf32>
    %jit3A_177 = arith.constant 11 : i32
    %broadcast_in_dim3A_178 = vector.broadcast %jit3A_177 : i32 to vector<1024x128xi32>
    %select_n3A_179 = arith.select %lt3A_176, %broadcast_in_dim3A_178, %select_n3A_166 : vector<1024x128xi1>, vector<1024x128xi32>
    %min3A_180 = arith.minimumf %sub3A_175, %min3A_167 : vector<1024x128xf32>
    %get3A_181 = arith.constant 1536 : index
    %get3A_182 = arith.constant 0 : index
    %get3A_183 = vector.load %arg3[%get3A_181, %get3A_182] : memref<8192x64xf32, #tpu.memory_space<vmem>>, vector<256x64xf32>
    %dot_general3A_184 = arith.constant dense<0.000000e+00> : vector<1024x256xf32>
    %dot_general3A_185 = tpu.matmul %mul3A_3, %get3A_183, %dot_general3A_184 {dimension_numbers = #tpu.dot_dimension_numbers<[1], [1], [0], [0], [0, 0, 1, 0], [], []>, transpose_lhs_hint = false} : vector<1024x64xf32>, vector<256x64xf32>, vector<1024x256xf32> -> vector<1024x256xf32>
    %get3A_186 = arith.constant 0 : index
    %get3A_187 = arith.constant 1536 : index
    %get3A_188 = vector.load %arg4[%get3A_186, %get3A_187] : memref<1x8192xf32, #tpu.memory_space<vmem>>, vector<1x128xf32>
    %add3A_189 = vector.broadcast %get3A_6 : vector<1024x1xf32> to vector<1024x128xf32>
    %add3A_190 = vector.broadcast %get3A_188 : vector<1x128xf32> to vector<1024x128xf32>
    %add3A_191 = arith.addf %add3A_189, %add3A_190 : vector<1024x128xf32>
    %slice3A_192 = vector.extract_strided_slice %dot_general3A_185 {offsets = [0, 0], sizes = [1024, 128], strides = [1, 1]} : vector<1024x256xf32> to vector<1024x128xf32>
    %sub3A_193 = arith.subf %add3A_191, %slice3A_192 : vector<1024x128xf32>
    %lt3A_194 = arith.cmpf olt, %sub3A_193, %min3A_180 : vector<1024x128xf32>
    %jit3A_195 = arith.constant 12 : i32
    %broadcast_in_dim3A_196 = vector.broadcast %jit3A_195 : i32 to vector<1024x128xi32>
    %select_n3A_197 = arith.select %lt3A_194, %broadcast_in_dim3A_196, %select_n3A_179 : vector<1024x128xi1>, vector<1024x128xi32>
    %min3A_198 = arith.minimumf %sub3A_193, %min3A_180 : vector<1024x128xf32>
    %get3A_199 = arith.constant 0 : index
    %get3A_200 = arith.constant 1664 : index
    %get3A_201 = vector.load %arg4[%get3A_199, %get3A_200] : memref<1x8192xf32, #tpu.memory_space<vmem>>, vector<1x128xf32>
    %add3A_202 = vector.broadcast %get3A_6 : vector<1024x1xf32> to vector<1024x128xf32>
    %add3A_203 = vector.broadcast %get3A_201 : vector<1x128xf32> to vector<1024x128xf32>
    %add3A_204 = arith.addf %add3A_202, %add3A_203 : vector<1024x128xf32>
    %slice3A_205 = vector.extract_strided_slice %dot_general3A_185 {offsets = [0, 128], sizes = [1024, 128], strides = [1, 1]} : vector<1024x256xf32> to vector<1024x128xf32>
    %sub3A_206 = arith.subf %add3A_204, %slice3A_205 : vector<1024x128xf32>
    %lt3A_207 = arith.cmpf olt, %sub3A_206, %min3A_198 : vector<1024x128xf32>
    %jit3A_208 = arith.constant 13 : i32
    %broadcast_in_dim3A_209 = vector.broadcast %jit3A_208 : i32 to vector<1024x128xi32>
    %select_n3A_210 = arith.select %lt3A_207, %broadcast_in_dim3A_209, %select_n3A_197 : vector<1024x128xi1>, vector<1024x128xi32>
    %min3A_211 = arith.minimumf %sub3A_206, %min3A_198 : vector<1024x128xf32>
    %get3A_212 = arith.constant 1792 : index
    %get3A_213 = arith.constant 0 : index
    %get3A_214 = vector.load %arg3[%get3A_212, %get3A_213] : memref<8192x64xf32, #tpu.memory_space<vmem>>, vector<256x64xf32>
    %dot_general3A_215 = arith.constant dense<0.000000e+00> : vector<1024x256xf32>
    %dot_general3A_216 = tpu.matmul %mul3A_3, %get3A_214, %dot_general3A_215 {dimension_numbers = #tpu.dot_dimension_numbers<[1], [1], [0], [0], [0, 0, 1, 0], [], []>, transpose_lhs_hint = false} : vector<1024x64xf32>, vector<256x64xf32>, vector<1024x256xf32> -> vector<1024x256xf32>
    %get3A_217 = arith.constant 0 : index
    %get3A_218 = arith.constant 1792 : index
    %get3A_219 = vector.load %arg4[%get3A_217, %get3A_218] : memref<1x8192xf32, #tpu.memory_space<vmem>>, vector<1x128xf32>
    %add3A_220 = vector.broadcast %get3A_6 : vector<1024x1xf32> to vector<1024x128xf32>
    %add3A_221 = vector.broadcast %get3A_219 : vector<1x128xf32> to vector<1024x128xf32>
    %add3A_222 = arith.addf %add3A_220, %add3A_221 : vector<1024x128xf32>
    %slice3A_223 = vector.extract_strided_slice %dot_general3A_216 {offsets = [0, 0], sizes = [1024, 128], strides = [1, 1]} : vector<1024x256xf32> to vector<1024x128xf32>
    %sub3A_224 = arith.subf %add3A_222, %slice3A_223 : vector<1024x128xf32>
    %lt3A_225 = arith.cmpf olt, %sub3A_224, %min3A_211 : vector<1024x128xf32>
    %jit3A_226 = arith.constant 14 : i32
    %broadcast_in_dim3A_227 = vector.broadcast %jit3A_226 : i32 to vector<1024x128xi32>
    %select_n3A_228 = arith.select %lt3A_225, %broadcast_in_dim3A_227, %select_n3A_210 : vector<1024x128xi1>, vector<1024x128xi32>
    %min3A_229 = arith.minimumf %sub3A_224, %min3A_211 : vector<1024x128xf32>
    %get3A_230 = arith.constant 0 : index
    %get3A_231 = arith.constant 1920 : index
    %get3A_232 = vector.load %arg4[%get3A_230, %get3A_231] : memref<1x8192xf32, #tpu.memory_space<vmem>>, vector<1x128xf32>
    %add3A_233 = vector.broadcast %get3A_6 : vector<1024x1xf32> to vector<1024x128xf32>
    %add3A_234 = vector.broadcast %get3A_232 : vector<1x128xf32> to vector<1024x128xf32>
    %add3A_235 = arith.addf %add3A_233, %add3A_234 : vector<1024x128xf32>
    %slice3A_236 = vector.extract_strided_slice %dot_general3A_216 {offsets = [0, 128], sizes = [1024, 128], strides = [1, 1]} : vector<1024x256xf32> to vector<1024x128xf32>
    %sub3A_237 = arith.subf %add3A_235, %slice3A_236 : vector<1024x128xf32>
    %lt3A_238 = arith.cmpf olt, %sub3A_237, %min3A_229 : vector<1024x128xf32>
    %jit3A_239 = arith.constant 15 : i32
    %broadcast_in_dim3A_240 = vector.broadcast %jit3A_239 : i32 to vector<1024x128xi32>
    %select_n3A_241 = arith.select %lt3A_238, %broadcast_in_dim3A_240, %select_n3A_228 : vector<1024x128xi1>, vector<1024x128xi32>
    %min3A_242 = arith.minimumf %sub3A_237, %min3A_229 : vector<1024x128xf32>
    %get3A_243 = arith.constant 2048 : index
    %get3A_244 = arith.constant 0 : index
    %get3A_245 = vector.load %arg3[%get3A_243, %get3A_244] : memref<8192x64xf32, #tpu.memory_space<vmem>>, vector<256x64xf32>
    %dot_general3A_246 = arith.constant dense<0.000000e+00> : vector<1024x256xf32>
    %dot_general3A_247 = tpu.matmul %mul3A_3, %get3A_245, %dot_general3A_246 {dimension_numbers = #tpu.dot_dimension_numbers<[1], [1], [0], [0], [0, 0, 1, 0], [], []>, transpose_lhs_hint = false} : vector<1024x64xf32>, vector<256x64xf32>, vector<1024x256xf32> -> vector<1024x256xf32>
    %get3A_248 = arith.constant 0 : index
    %get3A_249 = arith.constant 2048 : index
    %get3A_250 = vector.load %arg4[%get3A_248, %get3A_249] : memref<1x8192xf32, #tpu.memory_space<vmem>>, vector<1x128xf32>
    %add3A_251 = vector.broadcast %get3A_6 : vector<1024x1xf32> to vector<1024x128xf32>
    %add3A_252 = vector.broadcast %get3A_250 : vector<1x128xf32> to vector<1024x128xf32>
    %add3A_253 = arith.addf %add3A_251, %add3A_252 : vector<1024x128xf32>
    %slice3A_254 = vector.extract_strided_slice %dot_general3A_247 {offsets = [0, 0], sizes = [1024, 128], strides = [1, 1]} : vector<1024x256xf32> to vector<1024x128xf32>
    %sub3A_255 = arith.subf %add3A_253, %slice3A_254 : vector<1024x128xf32>
    %lt3A_256 = arith.cmpf olt, %sub3A_255, %min3A_242 : vector<1024x128xf32>
    %jit3A_257 = arith.constant 16 : i32
    %broadcast_in_dim3A_258 = vector.broadcast %jit3A_257 : i32 to vector<1024x128xi32>
    %select_n3A_259 = arith.select %lt3A_256, %broadcast_in_dim3A_258, %select_n3A_241 : vector<1024x128xi1>, vector<1024x128xi32>
    %min3A_260 = arith.minimumf %sub3A_255, %min3A_242 : vector<1024x128xf32>
    %get3A_261 = arith.constant 0 : index
    %get3A_262 = arith.constant 2176 : index
    %get3A_263 = vector.load %arg4[%get3A_261, %get3A_262] : memref<1x8192xf32, #tpu.memory_space<vmem>>, vector<1x128xf32>
    %add3A_264 = vector.broadcast %get3A_6 : vector<1024x1xf32> to vector<1024x128xf32>
    %add3A_265 = vector.broadcast %get3A_263 : vector<1x128xf32> to vector<1024x128xf32>
    %add3A_266 = arith.addf %add3A_264, %add3A_265 : vector<1024x128xf32>
    %slice3A_267 = vector.extract_strided_slice %dot_general3A_247 {offsets = [0, 128], sizes = [1024, 128], strides = [1, 1]} : vector<1024x256xf32> to vector<1024x128xf32>
    %sub3A_268 = arith.subf %add3A_266, %slice3A_267 : vector<1024x128xf32>
    %lt3A_269 = arith.cmpf olt, %sub3A_268, %min3A_260 : vector<1024x128xf32>
    %jit3A_270 = arith.constant 17 : i32
    %broadcast_in_dim3A_271 = vector.broadcast %jit3A_270 : i32 to vector<1024x128xi32>
    %select_n3A_272 = arith.select %lt3A_269, %broadcast_in_dim3A_271, %select_n3A_259 : vector<1024x128xi1>, vector<1024x128xi32>
    %min3A_273 = arith.minimumf %sub3A_268, %min3A_260 : vector<1024x128xf32>
    %get3A_274 = arith.constant 2304 : index
    %get3A_275 = arith.constant 0 : index
    %get3A_276 = vector.load %arg3[%get3A_274, %get3A_275] : memref<8192x64xf32, #tpu.memory_space<vmem>>, vector<256x64xf32>
    %dot_general3A_277 = arith.constant dense<0.000000e+00> : vector<1024x256xf32>
    %dot_general3A_278 = tpu.matmul %mul3A_3, %get3A_276, %dot_general3A_277 {dimension_numbers = #tpu.dot_dimension_numbers<[1], [1], [0], [0], [0, 0, 1, 0], [], []>, transpose_lhs_hint = false} : vector<1024x64xf32>, vector<256x64xf32>, vector<1024x256xf32> -> vector<1024x256xf32>
    %get3A_279 = arith.constant 0 : index
    %get3A_280 = arith.constant 2304 : index
    %get3A_281 = vector.load %arg4[%get3A_279, %get3A_280] : memref<1x8192xf32, #tpu.memory_space<vmem>>, vector<1x128xf32>
    %add3A_282 = vector.broadcast %get3A_6 : vector<1024x1xf32> to vector<1024x128xf32>
    %add3A_283 = vector.broadcast %get3A_281 : vector<1x128xf32> to vector<1024x128xf32>
    %add3A_284 = arith.addf %add3A_282, %add3A_283 : vector<1024x128xf32>
    %slice3A_285 = vector.extract_strided_slice %dot_general3A_278 {offsets = [0, 0], sizes = [1024, 128], strides = [1, 1]} : vector<1024x256xf32> to vector<1024x128xf32>
    %sub3A_286 = arith.subf %add3A_284, %slice3A_285 : vector<1024x128xf32>
    %lt3A_287 = arith.cmpf olt, %sub3A_286, %min3A_273 : vector<1024x128xf32>
    %jit3A_288 = arith.constant 18 : i32
    %broadcast_in_dim3A_289 = vector.broadcast %jit3A_288 : i32 to vector<1024x128xi32>
    %select_n3A_290 = arith.select %lt3A_287, %broadcast_in_dim3A_289, %select_n3A_272 : vector<1024x128xi1>, vector<1024x128xi32>
    %min3A_291 = arith.minimumf %sub3A_286, %min3A_273 : vector<1024x128xf32>
    %get3A_292 = arith.constant 0 : index
    %get3A_293 = arith.constant 2432 : index
    %get3A_294 = vector.load %arg4[%get3A_292, %get3A_293] : memref<1x8192xf32, #tpu.memory_space<vmem>>, vector<1x128xf32>
    %add3A_295 = vector.broadcast %get3A_6 : vector<1024x1xf32> to vector<1024x128xf32>
    %add3A_296 = vector.broadcast %get3A_294 : vector<1x128xf32> to vector<1024x128xf32>
    %add3A_297 = arith.addf %add3A_295, %add3A_296 : vector<1024x128xf32>
    %slice3A_298 = vector.extract_strided_slice %dot_general3A_278 {offsets = [0, 128], sizes = [1024, 128], strides = [1, 1]} : vector<1024x256xf32> to vector<1024x128xf32>
    %sub3A_299 = arith.subf %add3A_297, %slice3A_298 : vector<1024x128xf32>
    %lt3A_300 = arith.cmpf olt, %sub3A_299, %min3A_291 : vector<1024x128xf32>
    %jit3A_301 = arith.constant 19 : i32
    %broadcast_in_dim3A_302 = vector.broadcast %jit3A_301 : i32 to vector<1024x128xi32>
    %select_n3A_303 = arith.select %lt3A_300, %broadcast_in_dim3A_302, %select_n3A_290 : vector<1024x128xi1>, vector<1024x128xi32>
    %min3A_304 = arith.minimumf %sub3A_299, %min3A_291 : vector<1024x128xf32>
    %get3A_305 = arith.constant 2560 : index
    %get3A_306 = arith.constant 0 : index
    %get3A_307 = vector.load %arg3[%get3A_305, %get3A_306] : memref<8192x64xf32, #tpu.memory_space<vmem>>, vector<256x64xf32>
    %dot_general3A_308 = arith.constant dense<0.000000e+00> : vector<1024x256xf32>
    %dot_general3A_309 = tpu.matmul %mul3A_3, %get3A_307, %dot_general3A_308 {dimension_numbers = #tpu.dot_dimension_numbers<[1], [1], [0], [0], [0, 0, 1, 0], [], []>, transpose_lhs_hint = false} : vector<1024x64xf32>, vector<256x64xf32>, vector<1024x256xf32> -> vector<1024x256xf32>
    %get3A_310 = arith.constant 0 : index
    %get3A_311 = arith.constant 2560 : index
    %get3A_312 = vector.load %arg4[%get3A_310, %get3A_311] : memref<1x8192xf32, #tpu.memory_space<vmem>>, vector<1x128xf32>
    %add3A_313 = vector.broadcast %get3A_6 : vector<1024x1xf32> to vector<1024x128xf32>
    %add3A_314 = vector.broadcast %get3A_312 : vector<1x128xf32> to vector<1024x128xf32>
    %add3A_315 = arith.addf %add3A_313, %add3A_314 : vector<1024x128xf32>
    %slice3A_316 = vector.extract_strided_slice %dot_general3A_309 {offsets = [0, 0], sizes = [1024, 128], strides = [1, 1]} : vector<1024x256xf32> to vector<1024x128xf32>
    %sub3A_317 = arith.subf %add3A_315, %slice3A_316 : vector<1024x128xf32>
    %lt3A_318 = arith.cmpf olt, %sub3A_317, %min3A_304 : vector<1024x128xf32>
    %jit3A_319 = arith.constant 20 : i32
    %broadcast_in_dim3A_320 = vector.broadcast %jit3A_319 : i32 to vector<1024x128xi32>
    %select_n3A_321 = arith.select %lt3A_318, %broadcast_in_dim3A_320, %select_n3A_303 : vector<1024x128xi1>, vector<1024x128xi32>
    %min3A_322 = arith.minimumf %sub3A_317, %min3A_304 : vector<1024x128xf32>
    %get3A_323 = arith.constant 0 : index
    %get3A_324 = arith.constant 2688 : index
    %get3A_325 = vector.load %arg4[%get3A_323, %get3A_324] : memref<1x8192xf32, #tpu.memory_space<vmem>>, vector<1x128xf32>
    %add3A_326 = vector.broadcast %get3A_6 : vector<1024x1xf32> to vector<1024x128xf32>
    %add3A_327 = vector.broadcast %get3A_325 : vector<1x128xf32> to vector<1024x128xf32>
    %add3A_328 = arith.addf %add3A_326, %add3A_327 : vector<1024x128xf32>
    %slice3A_329 = vector.extract_strided_slice %dot_general3A_309 {offsets = [0, 128], sizes = [1024, 128], strides = [1, 1]} : vector<1024x256xf32> to vector<1024x128xf32>
    %sub3A_330 = arith.subf %add3A_328, %slice3A_329 : vector<1024x128xf32>
    %lt3A_331 = arith.cmpf olt, %sub3A_330, %min3A_322 : vector<1024x128xf32>
    %jit3A_332 = arith.constant 21 : i32
    %broadcast_in_dim3A_333 = vector.broadcast %jit3A_332 : i32 to vector<1024x128xi32>
    %select_n3A_334 = arith.select %lt3A_331, %broadcast_in_dim3A_333, %select_n3A_321 : vector<1024x128xi1>, vector<1024x128xi32>
    %min3A_335 = arith.minimumf %sub3A_330, %min3A_322 : vector<1024x128xf32>
    %get3A_336 = arith.constant 2816 : index
    %get3A_337 = arith.constant 0 : index
    %get3A_338 = vector.load %arg3[%get3A_336, %get3A_337] : memref<8192x64xf32, #tpu.memory_space<vmem>>, vector<256x64xf32>
    %dot_general3A_339 = arith.constant dense<0.000000e+00> : vector<1024x256xf32>
    %dot_general3A_340 = tpu.matmul %mul3A_3, %get3A_338, %dot_general3A_339 {dimension_numbers = #tpu.dot_dimension_numbers<[1], [1], [0], [0], [0, 0, 1, 0], [], []>, transpose_lhs_hint = false} : vector<1024x64xf32>, vector<256x64xf32>, vector<1024x256xf32> -> vector<1024x256xf32>
    %get3A_341 = arith.constant 0 : index
    %get3A_342 = arith.constant 2816 : index
    %get3A_343 = vector.load %arg4[%get3A_341, %get3A_342] : memref<1x8192xf32, #tpu.memory_space<vmem>>, vector<1x128xf32>
    %add3A_344 = vector.broadcast %get3A_6 : vector<1024x1xf32> to vector<1024x128xf32>
    %add3A_345 = vector.broadcast %get3A_343 : vector<1x128xf32> to vector<1024x128xf32>
    %add3A_346 = arith.addf %add3A_344, %add3A_345 : vector<1024x128xf32>
    %slice3A_347 = vector.extract_strided_slice %dot_general3A_340 {offsets = [0, 0], sizes = [1024, 128], strides = [1, 1]} : vector<1024x256xf32> to vector<1024x128xf32>
    %sub3A_348 = arith.subf %add3A_346, %slice3A_347 : vector<1024x128xf32>
    %lt3A_349 = arith.cmpf olt, %sub3A_348, %min3A_335 : vector<1024x128xf32>
    %jit3A_350 = arith.constant 22 : i32
    %broadcast_in_dim3A_351 = vector.broadcast %jit3A_350 : i32 to vector<1024x128xi32>
    %select_n3A_352 = arith.select %lt3A_349, %broadcast_in_dim3A_351, %select_n3A_334 : vector<1024x128xi1>, vector<1024x128xi32>
    %min3A_353 = arith.minimumf %sub3A_348, %min3A_335 : vector<1024x128xf32>
    %get3A_354 = arith.constant 0 : index
    %get3A_355 = arith.constant 2944 : index
    %get3A_356 = vector.load %arg4[%get3A_354, %get3A_355] : memref<1x8192xf32, #tpu.memory_space<vmem>>, vector<1x128xf32>
    %add3A_357 = vector.broadcast %get3A_6 : vector<1024x1xf32> to vector<1024x128xf32>
    %add3A_358 = vector.broadcast %get3A_356 : vector<1x128xf32> to vector<1024x128xf32>
    %add3A_359 = arith.addf %add3A_357, %add3A_358 : vector<1024x128xf32>
    %slice3A_360 = vector.extract_strided_slice %dot_general3A_340 {offsets = [0, 128], sizes = [1024, 128], strides = [1, 1]} : vector<1024x256xf32> to vector<1024x128xf32>
    %sub3A_361 = arith.subf %add3A_359, %slice3A_360 : vector<1024x128xf32>
    %lt3A_362 = arith.cmpf olt, %sub3A_361, %min3A_353 : vector<1024x128xf32>
    %jit3A_363 = arith.constant 23 : i32
    %broadcast_in_dim3A_364 = vector.broadcast %jit3A_363 : i32 to vector<1024x128xi32>
    %select_n3A_365 = arith.select %lt3A_362, %broadcast_in_dim3A_364, %select_n3A_352 : vector<1024x128xi1>, vector<1024x128xi32>
    %min3A_366 = arith.minimumf %sub3A_361, %min3A_353 : vector<1024x128xf32>
    %get3A_367 = arith.constant 3072 : index
    %get3A_368 = arith.constant 0 : index
    %get3A_369 = vector.load %arg3[%get3A_367, %get3A_368] : memref<8192x64xf32, #tpu.memory_space<vmem>>, vector<256x64xf32>
    %dot_general3A_370 = arith.constant dense<0.000000e+00> : vector<1024x256xf32>
    %dot_general3A_371 = tpu.matmul %mul3A_3, %get3A_369, %dot_general3A_370 {dimension_numbers = #tpu.dot_dimension_numbers<[1], [1], [0], [0], [0, 0, 1, 0], [], []>, transpose_lhs_hint = false} : vector<1024x64xf32>, vector<256x64xf32>, vector<1024x256xf32> -> vector<1024x256xf32>
    %get3A_372 = arith.constant 0 : index
    %get3A_373 = arith.constant 3072 : index
    %get3A_374 = vector.load %arg4[%get3A_372, %get3A_373] : memref<1x8192xf32, #tpu.memory_space<vmem>>, vector<1x128xf32>
    %add3A_375 = vector.broadcast %get3A_6 : vector<1024x1xf32> to vector<1024x128xf32>
    %add3A_376 = vector.broadcast %get3A_374 : vector<1x128xf32> to vector<1024x128xf32>
    %add3A_377 = arith.addf %add3A_375, %add3A_376 : vector<1024x128xf32>
    %slice3A_378 = vector.extract_strided_slice %dot_general3A_371 {offsets = [0, 0], sizes = [1024, 128], strides = [1, 1]} : vector<1024x256xf32> to vector<1024x128xf32>
    %sub3A_379 = arith.subf %add3A_377, %slice3A_378 : vector<1024x128xf32>
    %lt3A_380 = arith.cmpf olt, %sub3A_379, %min3A_366 : vector<1024x128xf32>
    %jit3A_381 = arith.constant 24 : i32
    %broadcast_in_dim3A_382 = vector.broadcast %jit3A_381 : i32 to vector<1024x128xi32>
    %select_n3A_383 = arith.select %lt3A_380, %broadcast_in_dim3A_382, %select_n3A_365 : vector<1024x128xi1>, vector<1024x128xi32>
    %min3A_384 = arith.minimumf %sub3A_379, %min3A_366 : vector<1024x128xf32>
    %get3A_385 = arith.constant 0 : index
    %get3A_386 = arith.constant 3200 : index
    %get3A_387 = vector.load %arg4[%get3A_385, %get3A_386] : memref<1x8192xf32, #tpu.memory_space<vmem>>, vector<1x128xf32>
    %add3A_388 = vector.broadcast %get3A_6 : vector<1024x1xf32> to vector<1024x128xf32>
    %add3A_389 = vector.broadcast %get3A_387 : vector<1x128xf32> to vector<1024x128xf32>
    %add3A_390 = arith.addf %add3A_388, %add3A_389 : vector<1024x128xf32>
    %slice3A_391 = vector.extract_strided_slice %dot_general3A_371 {offsets = [0, 128], sizes = [1024, 128], strides = [1, 1]} : vector<1024x256xf32> to vector<1024x128xf32>
    %sub3A_392 = arith.subf %add3A_390, %slice3A_391 : vector<1024x128xf32>
    %lt3A_393 = arith.cmpf olt, %sub3A_392, %min3A_384 : vector<1024x128xf32>
    %jit3A_394 = arith.constant 25 : i32
    %broadcast_in_dim3A_395 = vector.broadcast %jit3A_394 : i32 to vector<1024x128xi32>
    %select_n3A_396 = arith.select %lt3A_393, %broadcast_in_dim3A_395, %select_n3A_383 : vector<1024x128xi1>, vector<1024x128xi32>
    %min3A_397 = arith.minimumf %sub3A_392, %min3A_384 : vector<1024x128xf32>
    %get3A_398 = arith.constant 3328 : index
    %get3A_399 = arith.constant 0 : index
    %get3A_400 = vector.load %arg3[%get3A_398, %get3A_399] : memref<8192x64xf32, #tpu.memory_space<vmem>>, vector<256x64xf32>
    %dot_general3A_401 = arith.constant dense<0.000000e+00> : vector<1024x256xf32>
    %dot_general3A_402 = tpu.matmul %mul3A_3, %get3A_400, %dot_general3A_401 {dimension_numbers = #tpu.dot_dimension_numbers<[1], [1], [0], [0], [0, 0, 1, 0], [], []>, transpose_lhs_hint = false} : vector<1024x64xf32>, vector<256x64xf32>, vector<1024x256xf32> -> vector<1024x256xf32>
    %get3A_403 = arith.constant 0 : index
    %get3A_404 = arith.constant 3328 : index
    %get3A_405 = vector.load %arg4[%get3A_403, %get3A_404] : memref<1x8192xf32, #tpu.memory_space<vmem>>, vector<1x128xf32>
    %add3A_406 = vector.broadcast %get3A_6 : vector<1024x1xf32> to vector<1024x128xf32>
    %add3A_407 = vector.broadcast %get3A_405 : vector<1x128xf32> to vector<1024x128xf32>
    %add3A_408 = arith.addf %add3A_406, %add3A_407 : vector<1024x128xf32>
    %slice3A_409 = vector.extract_strided_slice %dot_general3A_402 {offsets = [0, 0], sizes = [1024, 128], strides = [1, 1]} : vector<1024x256xf32> to vector<1024x128xf32>
    %sub3A_410 = arith.subf %add3A_408, %slice3A_409 : vector<1024x128xf32>
    %lt3A_411 = arith.cmpf olt, %sub3A_410, %min3A_397 : vector<1024x128xf32>
    %jit3A_412 = arith.constant 26 : i32
    %broadcast_in_dim3A_413 = vector.broadcast %jit3A_412 : i32 to vector<1024x128xi32>
    %select_n3A_414 = arith.select %lt3A_411, %broadcast_in_dim3A_413, %select_n3A_396 : vector<1024x128xi1>, vector<1024x128xi32>
    %min3A_415 = arith.minimumf %sub3A_410, %min3A_397 : vector<1024x128xf32>
    %get3A_416 = arith.constant 0 : index
    %get3A_417 = arith.constant 3456 : index
    %get3A_418 = vector.load %arg4[%get3A_416, %get3A_417] : memref<1x8192xf32, #tpu.memory_space<vmem>>, vector<1x128xf32>
    %add3A_419 = vector.broadcast %get3A_6 : vector<1024x1xf32> to vector<1024x128xf32>
    %add3A_420 = vector.broadcast %get3A_418 : vector<1x128xf32> to vector<1024x128xf32>
    %add3A_421 = arith.addf %add3A_419, %add3A_420 : vector<1024x128xf32>
    %slice3A_422 = vector.extract_strided_slice %dot_general3A_402 {offsets = [0, 128], sizes = [1024, 128], strides = [1, 1]} : vector<1024x256xf32> to vector<1024x128xf32>
    %sub3A_423 = arith.subf %add3A_421, %slice3A_422 : vector<1024x128xf32>
    %lt3A_424 = arith.cmpf olt, %sub3A_423, %min3A_415 : vector<1024x128xf32>
    %jit3A_425 = arith.constant 27 : i32
    %broadcast_in_dim3A_426 = vector.broadcast %jit3A_425 : i32 to vector<1024x128xi32>
    %select_n3A_427 = arith.select %lt3A_424, %broadcast_in_dim3A_426, %select_n3A_414 : vector<1024x128xi1>, vector<1024x128xi32>
    %min3A_428 = arith.minimumf %sub3A_423, %min3A_415 : vector<1024x128xf32>
    %get3A_429 = arith.constant 3584 : index
    %get3A_430 = arith.constant 0 : index
    %get3A_431 = vector.load %arg3[%get3A_429, %get3A_430] : memref<8192x64xf32, #tpu.memory_space<vmem>>, vector<256x64xf32>
    %dot_general3A_432 = arith.constant dense<0.000000e+00> : vector<1024x256xf32>
    %dot_general3A_433 = tpu.matmul %mul3A_3, %get3A_431, %dot_general3A_432 {dimension_numbers = #tpu.dot_dimension_numbers<[1], [1], [0], [0], [0, 0, 1, 0], [], []>, transpose_lhs_hint = false} : vector<1024x64xf32>, vector<256x64xf32>, vector<1024x256xf32> -> vector<1024x256xf32>
    %get3A_434 = arith.constant 0 : index
    %get3A_435 = arith.constant 3584 : index
    %get3A_436 = vector.load %arg4[%get3A_434, %get3A_435] : memref<1x8192xf32, #tpu.memory_space<vmem>>, vector<1x128xf32>
    %add3A_437 = vector.broadcast %get3A_6 : vector<1024x1xf32> to vector<1024x128xf32>
    %add3A_438 = vector.broadcast %get3A_436 : vector<1x128xf32> to vector<1024x128xf32>
    %add3A_439 = arith.addf %add3A_437, %add3A_438 : vector<1024x128xf32>
    %slice3A_440 = vector.extract_strided_slice %dot_general3A_433 {offsets = [0, 0], sizes = [1024, 128], strides = [1, 1]} : vector<1024x256xf32> to vector<1024x128xf32>
    %sub3A_441 = arith.subf %add3A_439, %slice3A_440 : vector<1024x128xf32>
    %lt3A_442 = arith.cmpf olt, %sub3A_441, %min3A_428 : vector<1024x128xf32>
    %jit3A_443 = arith.constant 28 : i32
    %broadcast_in_dim3A_444 = vector.broadcast %jit3A_443 : i32 to vector<1024x128xi32>
    %select_n3A_445 = arith.select %lt3A_442, %broadcast_in_dim3A_444, %select_n3A_427 : vector<1024x128xi1>, vector<1024x128xi32>
    %min3A_446 = arith.minimumf %sub3A_441, %min3A_428 : vector<1024x128xf32>
    %get3A_447 = arith.constant 0 : index
    %get3A_448 = arith.constant 3712 : index
    %get3A_449 = vector.load %arg4[%get3A_447, %get3A_448] : memref<1x8192xf32, #tpu.memory_space<vmem>>, vector<1x128xf32>
    %add3A_450 = vector.broadcast %get3A_6 : vector<1024x1xf32> to vector<1024x128xf32>
    %add3A_451 = vector.broadcast %get3A_449 : vector<1x128xf32> to vector<1024x128xf32>
    %add3A_452 = arith.addf %add3A_450, %add3A_451 : vector<1024x128xf32>
    %slice3A_453 = vector.extract_strided_slice %dot_general3A_433 {offsets = [0, 128], sizes = [1024, 128], strides = [1, 1]} : vector<1024x256xf32> to vector<1024x128xf32>
    %sub3A_454 = arith.subf %add3A_452, %slice3A_453 : vector<1024x128xf32>
    %lt3A_455 = arith.cmpf olt, %sub3A_454, %min3A_446 : vector<1024x128xf32>
    %jit3A_456 = arith.constant 29 : i32
    %broadcast_in_dim3A_457 = vector.broadcast %jit3A_456 : i32 to vector<1024x128xi32>
    %select_n3A_458 = arith.select %lt3A_455, %broadcast_in_dim3A_457, %select_n3A_445 : vector<1024x128xi1>, vector<1024x128xi32>
    %min3A_459 = arith.minimumf %sub3A_454, %min3A_446 : vector<1024x128xf32>
    %get3A_460 = arith.constant 3840 : index
    %get3A_461 = arith.constant 0 : index
    %get3A_462 = vector.load %arg3[%get3A_460, %get3A_461] : memref<8192x64xf32, #tpu.memory_space<vmem>>, vector<256x64xf32>
    %dot_general3A_463 = arith.constant dense<0.000000e+00> : vector<1024x256xf32>
    %dot_general3A_464 = tpu.matmul %mul3A_3, %get3A_462, %dot_general3A_463 {dimension_numbers = #tpu.dot_dimension_numbers<[1], [1], [0], [0], [0, 0, 1, 0], [], []>, transpose_lhs_hint = false} : vector<1024x64xf32>, vector<256x64xf32>, vector<1024x256xf32> -> vector<1024x256xf32>
    %get3A_465 = arith.constant 0 : index
    %get3A_466 = arith.constant 3840 : index
    %get3A_467 = vector.load %arg4[%get3A_465, %get3A_466] : memref<1x8192xf32, #tpu.memory_space<vmem>>, vector<1x128xf32>
    %add3A_468 = vector.broadcast %get3A_6 : vector<1024x1xf32> to vector<1024x128xf32>
    %add3A_469 = vector.broadcast %get3A_467 : vector<1x128xf32> to vector<1024x128xf32>
    %add3A_470 = arith.addf %add3A_468, %add3A_469 : vector<1024x128xf32>
    %slice3A_471 = vector.extract_strided_slice %dot_general3A_464 {offsets = [0, 0], sizes = [1024, 128], strides = [1, 1]} : vector<1024x256xf32> to vector<1024x128xf32>
    %sub3A_472 = arith.subf %add3A_470, %slice3A_471 : vector<1024x128xf32>
    %lt3A_473 = arith.cmpf olt, %sub3A_472, %min3A_459 : vector<1024x128xf32>
    %jit3A_474 = arith.constant 30 : i32
    %broadcast_in_dim3A_475 = vector.broadcast %jit3A_474 : i32 to vector<1024x128xi32>
    %select_n3A_476 = arith.select %lt3A_473, %broadcast_in_dim3A_475, %select_n3A_458 : vector<1024x128xi1>, vector<1024x128xi32>
    %min3A_477 = arith.minimumf %sub3A_472, %min3A_459 : vector<1024x128xf32>
    %get3A_478 = arith.constant 0 : index
    %get3A_479 = arith.constant 3968 : index
    %get3A_480 = vector.load %arg4[%get3A_478, %get3A_479] : memref<1x8192xf32, #tpu.memory_space<vmem>>, vector<1x128xf32>
    %add3A_481 = vector.broadcast %get3A_6 : vector<1024x1xf32> to vector<1024x128xf32>
    %add3A_482 = vector.broadcast %get3A_480 : vector<1x128xf32> to vector<1024x128xf32>
    %add3A_483 = arith.addf %add3A_481, %add3A_482 : vector<1024x128xf32>
    %slice3A_484 = vector.extract_strided_slice %dot_general3A_464 {offsets = [0, 128], sizes = [1024, 128], strides = [1, 1]} : vector<1024x256xf32> to vector<1024x128xf32>
    %sub3A_485 = arith.subf %add3A_483, %slice3A_484 : vector<1024x128xf32>
    %lt3A_486 = arith.cmpf olt, %sub3A_485, %min3A_477 : vector<1024x128xf32>
    %jit3A_487 = arith.constant 31 : i32
    %broadcast_in_dim3A_488 = vector.broadcast %jit3A_487 : i32 to vector<1024x128xi32>
    %select_n3A_489 = arith.select %lt3A_486, %broadcast_in_dim3A_488, %select_n3A_476 : vector<1024x128xi1>, vector<1024x128xi32>
    %min3A_490 = arith.minimumf %sub3A_485, %min3A_477 : vector<1024x128xf32>
    %get3A_491 = arith.constant 4096 : index
    %get3A_492 = arith.constant 0 : index
    %get3A_493 = vector.load %arg3[%get3A_491, %get3A_492] : memref<8192x64xf32, #tpu.memory_space<vmem>>, vector<256x64xf32>
    %dot_general3A_494 = arith.constant dense<0.000000e+00> : vector<1024x256xf32>
    %dot_general3A_495 = tpu.matmul %mul3A_3, %get3A_493, %dot_general3A_494 {dimension_numbers = #tpu.dot_dimension_numbers<[1], [1], [0], [0], [0, 0, 1, 0], [], []>, transpose_lhs_hint = false} : vector<1024x64xf32>, vector<256x64xf32>, vector<1024x256xf32> -> vector<1024x256xf32>
    %get3A_496 = arith.constant 0 : index
    %get3A_497 = arith.constant 4096 : index
    %get3A_498 = vector.load %arg4[%get3A_496, %get3A_497] : memref<1x8192xf32, #tpu.memory_space<vmem>>, vector<1x128xf32>
    %add3A_499 = vector.broadcast %get3A_6 : vector<1024x1xf32> to vector<1024x128xf32>
    %add3A_500 = vector.broadcast %get3A_498 : vector<1x128xf32> to vector<1024x128xf32>
    %add3A_501 = arith.addf %add3A_499, %add3A_500 : vector<1024x128xf32>
    %slice3A_502 = vector.extract_strided_slice %dot_general3A_495 {offsets = [0, 0], sizes = [1024, 128], strides = [1, 1]} : vector<1024x256xf32> to vector<1024x128xf32>
    %sub3A_503 = arith.subf %add3A_501, %slice3A_502 : vector<1024x128xf32>
    %lt3A_504 = arith.cmpf olt, %sub3A_503, %min3A_490 : vector<1024x128xf32>
    %jit3A_505 = arith.constant 32 : i32
    %broadcast_in_dim3A_506 = vector.broadcast %jit3A_505 : i32 to vector<1024x128xi32>
    %select_n3A_507 = arith.select %lt3A_504, %broadcast_in_dim3A_506, %select_n3A_489 : vector<1024x128xi1>, vector<1024x128xi32>
    %min3A_508 = arith.minimumf %sub3A_503, %min3A_490 : vector<1024x128xf32>
    %get3A_509 = arith.constant 0 : index
    %get3A_510 = arith.constant 4224 : index
    %get3A_511 = vector.load %arg4[%get3A_509, %get3A_510] : memref<1x8192xf32, #tpu.memory_space<vmem>>, vector<1x128xf32>
    %add3A_512 = vector.broadcast %get3A_6 : vector<1024x1xf32> to vector<1024x128xf32>
    %add3A_513 = vector.broadcast %get3A_511 : vector<1x128xf32> to vector<1024x128xf32>
    %add3A_514 = arith.addf %add3A_512, %add3A_513 : vector<1024x128xf32>
    %slice3A_515 = vector.extract_strided_slice %dot_general3A_495 {offsets = [0, 128], sizes = [1024, 128], strides = [1, 1]} : vector<1024x256xf32> to vector<1024x128xf32>
    %sub3A_516 = arith.subf %add3A_514, %slice3A_515 : vector<1024x128xf32>
    %lt3A_517 = arith.cmpf olt, %sub3A_516, %min3A_508 : vector<1024x128xf32>
    %jit3A_518 = arith.constant 33 : i32
    %broadcast_in_dim3A_519 = vector.broadcast %jit3A_518 : i32 to vector<1024x128xi32>
    %select_n3A_520 = arith.select %lt3A_517, %broadcast_in_dim3A_519, %select_n3A_507 : vector<1024x128xi1>, vector<1024x128xi32>
    %min3A_521 = arith.minimumf %sub3A_516, %min3A_508 : vector<1024x128xf32>
    %get3A_522 = arith.constant 4352 : index
    %get3A_523 = arith.constant 0 : index
    %get3A_524 = vector.load %arg3[%get3A_522, %get3A_523] : memref<8192x64xf32, #tpu.memory_space<vmem>>, vector<256x64xf32>
    %dot_general3A_525 = arith.constant dense<0.000000e+00> : vector<1024x256xf32>
    %dot_general3A_526 = tpu.matmul %mul3A_3, %get3A_524, %dot_general3A_525 {dimension_numbers = #tpu.dot_dimension_numbers<[1], [1], [0], [0], [0, 0, 1, 0], [], []>, transpose_lhs_hint = false} : vector<1024x64xf32>, vector<256x64xf32>, vector<1024x256xf32> -> vector<1024x256xf32>
    %get3A_527 = arith.constant 0 : index
    %get3A_528 = arith.constant 4352 : index
    %get3A_529 = vector.load %arg4[%get3A_527, %get3A_528] : memref<1x8192xf32, #tpu.memory_space<vmem>>, vector<1x128xf32>
    %add3A_530 = vector.broadcast %get3A_6 : vector<1024x1xf32> to vector<1024x128xf32>
    %add3A_531 = vector.broadcast %get3A_529 : vector<1x128xf32> to vector<1024x128xf32>
    %add3A_532 = arith.addf %add3A_530, %add3A_531 : vector<1024x128xf32>
    %slice3A_533 = vector.extract_strided_slice %dot_general3A_526 {offsets = [0, 0], sizes = [1024, 128], strides = [1, 1]} : vector<1024x256xf32> to vector<1024x128xf32>
    %sub3A_534 = arith.subf %add3A_532, %slice3A_533 : vector<1024x128xf32>
    %lt3A_535 = arith.cmpf olt, %sub3A_534, %min3A_521 : vector<1024x128xf32>
    %jit3A_536 = arith.constant 34 : i32
    %broadcast_in_dim3A_537 = vector.broadcast %jit3A_536 : i32 to vector<1024x128xi32>
    %select_n3A_538 = arith.select %lt3A_535, %broadcast_in_dim3A_537, %select_n3A_520 : vector<1024x128xi1>, vector<1024x128xi32>
    %min3A_539 = arith.minimumf %sub3A_534, %min3A_521 : vector<1024x128xf32>
    %get3A_540 = arith.constant 0 : index
    %get3A_541 = arith.constant 4480 : index
    %get3A_542 = vector.load %arg4[%get3A_540, %get3A_541] : memref<1x8192xf32, #tpu.memory_space<vmem>>, vector<1x128xf32>
    %add3A_543 = vector.broadcast %get3A_6 : vector<1024x1xf32> to vector<1024x128xf32>
    %add3A_544 = vector.broadcast %get3A_542 : vector<1x128xf32> to vector<1024x128xf32>
    %add3A_545 = arith.addf %add3A_543, %add3A_544 : vector<1024x128xf32>
    %slice3A_546 = vector.extract_strided_slice %dot_general3A_526 {offsets = [0, 128], sizes = [1024, 128], strides = [1, 1]} : vector<1024x256xf32> to vector<1024x128xf32>
    %sub3A_547 = arith.subf %add3A_545, %slice3A_546 : vector<1024x128xf32>
    %lt3A_548 = arith.cmpf olt, %sub3A_547, %min3A_539 : vector<1024x128xf32>
    %jit3A_549 = arith.constant 35 : i32
    %broadcast_in_dim3A_550 = vector.broadcast %jit3A_549 : i32 to vector<1024x128xi32>
    %select_n3A_551 = arith.select %lt3A_548, %broadcast_in_dim3A_550, %select_n3A_538 : vector<1024x128xi1>, vector<1024x128xi32>
    %min3A_552 = arith.minimumf %sub3A_547, %min3A_539 : vector<1024x128xf32>
    %get3A_553 = arith.constant 4608 : index
    %get3A_554 = arith.constant 0 : index
    %get3A_555 = vector.load %arg3[%get3A_553, %get3A_554] : memref<8192x64xf32, #tpu.memory_space<vmem>>, vector<256x64xf32>
    %dot_general3A_556 = arith.constant dense<0.000000e+00> : vector<1024x256xf32>
    %dot_general3A_557 = tpu.matmul %mul3A_3, %get3A_555, %dot_general3A_556 {dimension_numbers = #tpu.dot_dimension_numbers<[1], [1], [0], [0], [0, 0, 1, 0], [], []>, transpose_lhs_hint = false} : vector<1024x64xf32>, vector<256x64xf32>, vector<1024x256xf32> -> vector<1024x256xf32>
    %get3A_558 = arith.constant 0 : index
    %get3A_559 = arith.constant 4608 : index
    %get3A_560 = vector.load %arg4[%get3A_558, %get3A_559] : memref<1x8192xf32, #tpu.memory_space<vmem>>, vector<1x128xf32>
    %add3A_561 = vector.broadcast %get3A_6 : vector<1024x1xf32> to vector<1024x128xf32>
    %add3A_562 = vector.broadcast %get3A_560 : vector<1x128xf32> to vector<1024x128xf32>
    %add3A_563 = arith.addf %add3A_561, %add3A_562 : vector<1024x128xf32>
    %slice3A_564 = vector.extract_strided_slice %dot_general3A_557 {offsets = [0, 0], sizes = [1024, 128], strides = [1, 1]} : vector<1024x256xf32> to vector<1024x128xf32>
    %sub3A_565 = arith.subf %add3A_563, %slice3A_564 : vector<1024x128xf32>
    %lt3A_566 = arith.cmpf olt, %sub3A_565, %min3A_552 : vector<1024x128xf32>
    %jit3A_567 = arith.constant 36 : i32
    %broadcast_in_dim3A_568 = vector.broadcast %jit3A_567 : i32 to vector<1024x128xi32>
    %select_n3A_569 = arith.select %lt3A_566, %broadcast_in_dim3A_568, %select_n3A_551 : vector<1024x128xi1>, vector<1024x128xi32>
    %min3A_570 = arith.minimumf %sub3A_565, %min3A_552 : vector<1024x128xf32>
    %get3A_571 = arith.constant 0 : index
    %get3A_572 = arith.constant 4736 : index
    %get3A_573 = vector.load %arg4[%get3A_571, %get3A_572] : memref<1x8192xf32, #tpu.memory_space<vmem>>, vector<1x128xf32>
    %add3A_574 = vector.broadcast %get3A_6 : vector<1024x1xf32> to vector<1024x128xf32>
    %add3A_575 = vector.broadcast %get3A_573 : vector<1x128xf32> to vector<1024x128xf32>
    %add3A_576 = arith.addf %add3A_574, %add3A_575 : vector<1024x128xf32>
    %slice3A_577 = vector.extract_strided_slice %dot_general3A_557 {offsets = [0, 128], sizes = [1024, 128], strides = [1, 1]} : vector<1024x256xf32> to vector<1024x128xf32>
    %sub3A_578 = arith.subf %add3A_576, %slice3A_577 : vector<1024x128xf32>
    %lt3A_579 = arith.cmpf olt, %sub3A_578, %min3A_570 : vector<1024x128xf32>
    %jit3A_580 = arith.constant 37 : i32
    %broadcast_in_dim3A_581 = vector.broadcast %jit3A_580 : i32 to vector<1024x128xi32>
    %select_n3A_582 = arith.select %lt3A_579, %broadcast_in_dim3A_581, %select_n3A_569 : vector<1024x128xi1>, vector<1024x128xi32>
    %min3A_583 = arith.minimumf %sub3A_578, %min3A_570 : vector<1024x128xf32>
    %get3A_584 = arith.constant 4864 : index
    %get3A_585 = arith.constant 0 : index
    %get3A_586 = vector.load %arg3[%get3A_584, %get3A_585] : memref<8192x64xf32, #tpu.memory_space<vmem>>, vector<256x64xf32>
    %dot_general3A_587 = arith.constant dense<0.000000e+00> : vector<1024x256xf32>
    %dot_general3A_588 = tpu.matmul %mul3A_3, %get3A_586, %dot_general3A_587 {dimension_numbers = #tpu.dot_dimension_numbers<[1], [1], [0], [0], [0, 0, 1, 0], [], []>, transpose_lhs_hint = false} : vector<1024x64xf32>, vector<256x64xf32>, vector<1024x256xf32> -> vector<1024x256xf32>
    %get3A_589 = arith.constant 0 : index
    %get3A_590 = arith.constant 4864 : index
    %get3A_591 = vector.load %arg4[%get3A_589, %get3A_590] : memref<1x8192xf32, #tpu.memory_space<vmem>>, vector<1x128xf32>
    %add3A_592 = vector.broadcast %get3A_6 : vector<1024x1xf32> to vector<1024x128xf32>
    %add3A_593 = vector.broadcast %get3A_591 : vector<1x128xf32> to vector<1024x128xf32>
    %add3A_594 = arith.addf %add3A_592, %add3A_593 : vector<1024x128xf32>
    %slice3A_595 = vector.extract_strided_slice %dot_general3A_588 {offsets = [0, 0], sizes = [1024, 128], strides = [1, 1]} : vector<1024x256xf32> to vector<1024x128xf32>
    %sub3A_596 = arith.subf %add3A_594, %slice3A_595 : vector<1024x128xf32>
    %lt3A_597 = arith.cmpf olt, %sub3A_596, %min3A_583 : vector<1024x128xf32>
    %jit3A_598 = arith.constant 38 : i32
    %broadcast_in_dim3A_599 = vector.broadcast %jit3A_598 : i32 to vector<1024x128xi32>
    %select_n3A_600 = arith.select %lt3A_597, %broadcast_in_dim3A_599, %select_n3A_582 : vector<1024x128xi1>, vector<1024x128xi32>
    %min3A_601 = arith.minimumf %sub3A_596, %min3A_583 : vector<1024x128xf32>
    %get3A_602 = arith.constant 0 : index
    %get3A_603 = arith.constant 4992 : index
    %get3A_604 = vector.load %arg4[%get3A_602, %get3A_603] : memref<1x8192xf32, #tpu.memory_space<vmem>>, vector<1x128xf32>
    %add3A_605 = vector.broadcast %get3A_6 : vector<1024x1xf32> to vector<1024x128xf32>
    %add3A_606 = vector.broadcast %get3A_604 : vector<1x128xf32> to vector<1024x128xf32>
    %add3A_607 = arith.addf %add3A_605, %add3A_606 : vector<1024x128xf32>
    %slice3A_608 = vector.extract_strided_slice %dot_general3A_588 {offsets = [0, 128], sizes = [1024, 128], strides = [1, 1]} : vector<1024x256xf32> to vector<1024x128xf32>
    %sub3A_609 = arith.subf %add3A_607, %slice3A_608 : vector<1024x128xf32>
    %lt3A_610 = arith.cmpf olt, %sub3A_609, %min3A_601 : vector<1024x128xf32>
    %jit3A_611 = arith.constant 39 : i32
    %broadcast_in_dim3A_612 = vector.broadcast %jit3A_611 : i32 to vector<1024x128xi32>
    %select_n3A_613 = arith.select %lt3A_610, %broadcast_in_dim3A_612, %select_n3A_600 : vector<1024x128xi1>, vector<1024x128xi32>
    %min3A_614 = arith.minimumf %sub3A_609, %min3A_601 : vector<1024x128xf32>
    %get3A_615 = arith.constant 5120 : index
    %get3A_616 = arith.constant 0 : index
    %get3A_617 = vector.load %arg3[%get3A_615, %get3A_616] : memref<8192x64xf32, #tpu.memory_space<vmem>>, vector<256x64xf32>
    %dot_general3A_618 = arith.constant dense<0.000000e+00> : vector<1024x256xf32>
    %dot_general3A_619 = tpu.matmul %mul3A_3, %get3A_617, %dot_general3A_618 {dimension_numbers = #tpu.dot_dimension_numbers<[1], [1], [0], [0], [0, 0, 1, 0], [], []>, transpose_lhs_hint = false} : vector<1024x64xf32>, vector<256x64xf32>, vector<1024x256xf32> -> vector<1024x256xf32>
    %get3A_620 = arith.constant 0 : index
    %get3A_621 = arith.constant 5120 : index
    %get3A_622 = vector.load %arg4[%get3A_620, %get3A_621] : memref<1x8192xf32, #tpu.memory_space<vmem>>, vector<1x128xf32>
    %add3A_623 = vector.broadcast %get3A_6 : vector<1024x1xf32> to vector<1024x128xf32>
    %add3A_624 = vector.broadcast %get3A_622 : vector<1x128xf32> to vector<1024x128xf32>
    %add3A_625 = arith.addf %add3A_623, %add3A_624 : vector<1024x128xf32>
    %slice3A_626 = vector.extract_strided_slice %dot_general3A_619 {offsets = [0, 0], sizes = [1024, 128], strides = [1, 1]} : vector<1024x256xf32> to vector<1024x128xf32>
    %sub3A_627 = arith.subf %add3A_625, %slice3A_626 : vector<1024x128xf32>
    %lt3A_628 = arith.cmpf olt, %sub3A_627, %min3A_614 : vector<1024x128xf32>
    %jit3A_629 = arith.constant 40 : i32
    %broadcast_in_dim3A_630 = vector.broadcast %jit3A_629 : i32 to vector<1024x128xi32>
    %select_n3A_631 = arith.select %lt3A_628, %broadcast_in_dim3A_630, %select_n3A_613 : vector<1024x128xi1>, vector<1024x128xi32>
    %min3A_632 = arith.minimumf %sub3A_627, %min3A_614 : vector<1024x128xf32>
    %get3A_633 = arith.constant 0 : index
    %get3A_634 = arith.constant 5248 : index
    %get3A_635 = vector.load %arg4[%get3A_633, %get3A_634] : memref<1x8192xf32, #tpu.memory_space<vmem>>, vector<1x128xf32>
    %add3A_636 = vector.broadcast %get3A_6 : vector<1024x1xf32> to vector<1024x128xf32>
    %add3A_637 = vector.broadcast %get3A_635 : vector<1x128xf32> to vector<1024x128xf32>
    %add3A_638 = arith.addf %add3A_636, %add3A_637 : vector<1024x128xf32>
    %slice3A_639 = vector.extract_strided_slice %dot_general3A_619 {offsets = [0, 128], sizes = [1024, 128], strides = [1, 1]} : vector<1024x256xf32> to vector<1024x128xf32>
    %sub3A_640 = arith.subf %add3A_638, %slice3A_639 : vector<1024x128xf32>
    %lt3A_641 = arith.cmpf olt, %sub3A_640, %min3A_632 : vector<1024x128xf32>
    %jit3A_642 = arith.constant 41 : i32
    %broadcast_in_dim3A_643 = vector.broadcast %jit3A_642 : i32 to vector<1024x128xi32>
    %select_n3A_644 = arith.select %lt3A_641, %broadcast_in_dim3A_643, %select_n3A_631 : vector<1024x128xi1>, vector<1024x128xi32>
    %min3A_645 = arith.minimumf %sub3A_640, %min3A_632 : vector<1024x128xf32>
    %get3A_646 = arith.constant 5376 : index
    %get3A_647 = arith.constant 0 : index
    %get3A_648 = vector.load %arg3[%get3A_646, %get3A_647] : memref<8192x64xf32, #tpu.memory_space<vmem>>, vector<256x64xf32>
    %dot_general3A_649 = arith.constant dense<0.000000e+00> : vector<1024x256xf32>
    %dot_general3A_650 = tpu.matmul %mul3A_3, %get3A_648, %dot_general3A_649 {dimension_numbers = #tpu.dot_dimension_numbers<[1], [1], [0], [0], [0, 0, 1, 0], [], []>, transpose_lhs_hint = false} : vector<1024x64xf32>, vector<256x64xf32>, vector<1024x256xf32> -> vector<1024x256xf32>
    %get3A_651 = arith.constant 0 : index
    %get3A_652 = arith.constant 5376 : index
    %get3A_653 = vector.load %arg4[%get3A_651, %get3A_652] : memref<1x8192xf32, #tpu.memory_space<vmem>>, vector<1x128xf32>
    %add3A_654 = vector.broadcast %get3A_6 : vector<1024x1xf32> to vector<1024x128xf32>
    %add3A_655 = vector.broadcast %get3A_653 : vector<1x128xf32> to vector<1024x128xf32>
    %add3A_656 = arith.addf %add3A_654, %add3A_655 : vector<1024x128xf32>
    %slice3A_657 = vector.extract_strided_slice %dot_general3A_650 {offsets = [0, 0], sizes = [1024, 128], strides = [1, 1]} : vector<1024x256xf32> to vector<1024x128xf32>
    %sub3A_658 = arith.subf %add3A_656, %slice3A_657 : vector<1024x128xf32>
    %lt3A_659 = arith.cmpf olt, %sub3A_658, %min3A_645 : vector<1024x128xf32>
    %jit3A_660 = arith.constant 42 : i32
    %broadcast_in_dim3A_661 = vector.broadcast %jit3A_660 : i32 to vector<1024x128xi32>
    %select_n3A_662 = arith.select %lt3A_659, %broadcast_in_dim3A_661, %select_n3A_644 : vector<1024x128xi1>, vector<1024x128xi32>
    %min3A_663 = arith.minimumf %sub3A_658, %min3A_645 : vector<1024x128xf32>
    %get3A_664 = arith.constant 0 : index
    %get3A_665 = arith.constant 5504 : index
    %get3A_666 = vector.load %arg4[%get3A_664, %get3A_665] : memref<1x8192xf32, #tpu.memory_space<vmem>>, vector<1x128xf32>
    %add3A_667 = vector.broadcast %get3A_6 : vector<1024x1xf32> to vector<1024x128xf32>
    %add3A_668 = vector.broadcast %get3A_666 : vector<1x128xf32> to vector<1024x128xf32>
    %add3A_669 = arith.addf %add3A_667, %add3A_668 : vector<1024x128xf32>
    %slice3A_670 = vector.extract_strided_slice %dot_general3A_650 {offsets = [0, 128], sizes = [1024, 128], strides = [1, 1]} : vector<1024x256xf32> to vector<1024x128xf32>
    %sub3A_671 = arith.subf %add3A_669, %slice3A_670 : vector<1024x128xf32>
    %lt3A_672 = arith.cmpf olt, %sub3A_671, %min3A_663 : vector<1024x128xf32>
    %jit3A_673 = arith.constant 43 : i32
    %broadcast_in_dim3A_674 = vector.broadcast %jit3A_673 : i32 to vector<1024x128xi32>
    %select_n3A_675 = arith.select %lt3A_672, %broadcast_in_dim3A_674, %select_n3A_662 : vector<1024x128xi1>, vector<1024x128xi32>
    %min3A_676 = arith.minimumf %sub3A_671, %min3A_663 : vector<1024x128xf32>
    %get3A_677 = arith.constant 5632 : index
    %get3A_678 = arith.constant 0 : index
    %get3A_679 = vector.load %arg3[%get3A_677, %get3A_678] : memref<8192x64xf32, #tpu.memory_space<vmem>>, vector<256x64xf32>
    %dot_general3A_680 = arith.constant dense<0.000000e+00> : vector<1024x256xf32>
    %dot_general3A_681 = tpu.matmul %mul3A_3, %get3A_679, %dot_general3A_680 {dimension_numbers = #tpu.dot_dimension_numbers<[1], [1], [0], [0], [0, 0, 1, 0], [], []>, transpose_lhs_hint = false} : vector<1024x64xf32>, vector<256x64xf32>, vector<1024x256xf32> -> vector<1024x256xf32>
    %get3A_682 = arith.constant 0 : index
    %get3A_683 = arith.constant 5632 : index
    %get3A_684 = vector.load %arg4[%get3A_682, %get3A_683] : memref<1x8192xf32, #tpu.memory_space<vmem>>, vector<1x128xf32>
    %add3A_685 = vector.broadcast %get3A_6 : vector<1024x1xf32> to vector<1024x128xf32>
    %add3A_686 = vector.broadcast %get3A_684 : vector<1x128xf32> to vector<1024x128xf32>
    %add3A_687 = arith.addf %add3A_685, %add3A_686 : vector<1024x128xf32>
    %slice3A_688 = vector.extract_strided_slice %dot_general3A_681 {offsets = [0, 0], sizes = [1024, 128], strides = [1, 1]} : vector<1024x256xf32> to vector<1024x128xf32>
    %sub3A_689 = arith.subf %add3A_687, %slice3A_688 : vector<1024x128xf32>
    %lt3A_690 = arith.cmpf olt, %sub3A_689, %min3A_676 : vector<1024x128xf32>
    %jit3A_691 = arith.constant 44 : i32
    %broadcast_in_dim3A_692 = vector.broadcast %jit3A_691 : i32 to vector<1024x128xi32>
    %select_n3A_693 = arith.select %lt3A_690, %broadcast_in_dim3A_692, %select_n3A_675 : vector<1024x128xi1>, vector<1024x128xi32>
    %min3A_694 = arith.minimumf %sub3A_689, %min3A_676 : vector<1024x128xf32>
    %get3A_695 = arith.constant 0 : index
    %get3A_696 = arith.constant 5760 : index
    %get3A_697 = vector.load %arg4[%get3A_695, %get3A_696] : memref<1x8192xf32, #tpu.memory_space<vmem>>, vector<1x128xf32>
    %add3A_698 = vector.broadcast %get3A_6 : vector<1024x1xf32> to vector<1024x128xf32>
    %add3A_699 = vector.broadcast %get3A_697 : vector<1x128xf32> to vector<1024x128xf32>
    %add3A_700 = arith.addf %add3A_698, %add3A_699 : vector<1024x128xf32>
    %slice3A_701 = vector.extract_strided_slice %dot_general3A_681 {offsets = [0, 128], sizes = [1024, 128], strides = [1, 1]} : vector<1024x256xf32> to vector<1024x128xf32>
    %sub3A_702 = arith.subf %add3A_700, %slice3A_701 : vector<1024x128xf32>
    %lt3A_703 = arith.cmpf olt, %sub3A_702, %min3A_694 : vector<1024x128xf32>
    %jit3A_704 = arith.constant 45 : i32
    %broadcast_in_dim3A_705 = vector.broadcast %jit3A_704 : i32 to vector<1024x128xi32>
    %select_n3A_706 = arith.select %lt3A_703, %broadcast_in_dim3A_705, %select_n3A_693 : vector<1024x128xi1>, vector<1024x128xi32>
    %min3A_707 = arith.minimumf %sub3A_702, %min3A_694 : vector<1024x128xf32>
    %get3A_708 = arith.constant 5888 : index
    %get3A_709 = arith.constant 0 : index
    %get3A_710 = vector.load %arg3[%get3A_708, %get3A_709] : memref<8192x64xf32, #tpu.memory_space<vmem>>, vector<256x64xf32>
    %dot_general3A_711 = arith.constant dense<0.000000e+00> : vector<1024x256xf32>
    %dot_general3A_712 = tpu.matmul %mul3A_3, %get3A_710, %dot_general3A_711 {dimension_numbers = #tpu.dot_dimension_numbers<[1], [1], [0], [0], [0, 0, 1, 0], [], []>, transpose_lhs_hint = false} : vector<1024x64xf32>, vector<256x64xf32>, vector<1024x256xf32> -> vector<1024x256xf32>
    %get3A_713 = arith.constant 0 : index
    %get3A_714 = arith.constant 5888 : index
    %get3A_715 = vector.load %arg4[%get3A_713, %get3A_714] : memref<1x8192xf32, #tpu.memory_space<vmem>>, vector<1x128xf32>
    %add3A_716 = vector.broadcast %get3A_6 : vector<1024x1xf32> to vector<1024x128xf32>
    %add3A_717 = vector.broadcast %get3A_715 : vector<1x128xf32> to vector<1024x128xf32>
    %add3A_718 = arith.addf %add3A_716, %add3A_717 : vector<1024x128xf32>
    %slice3A_719 = vector.extract_strided_slice %dot_general3A_712 {offsets = [0, 0], sizes = [1024, 128], strides = [1, 1]} : vector<1024x256xf32> to vector<1024x128xf32>
    %sub3A_720 = arith.subf %add3A_718, %slice3A_719 : vector<1024x128xf32>
    %lt3A_721 = arith.cmpf olt, %sub3A_720, %min3A_707 : vector<1024x128xf32>
    %jit3A_722 = arith.constant 46 : i32
    %broadcast_in_dim3A_723 = vector.broadcast %jit3A_722 : i32 to vector<1024x128xi32>
    %select_n3A_724 = arith.select %lt3A_721, %broadcast_in_dim3A_723, %select_n3A_706 : vector<1024x128xi1>, vector<1024x128xi32>
    %min3A_725 = arith.minimumf %sub3A_720, %min3A_707 : vector<1024x128xf32>
    %get3A_726 = arith.constant 0 : index
    %get3A_727 = arith.constant 6016 : index
    %get3A_728 = vector.load %arg4[%get3A_726, %get3A_727] : memref<1x8192xf32, #tpu.memory_space<vmem>>, vector<1x128xf32>
    %add3A_729 = vector.broadcast %get3A_6 : vector<1024x1xf32> to vector<1024x128xf32>
    %add3A_730 = vector.broadcast %get3A_728 : vector<1x128xf32> to vector<1024x128xf32>
    %add3A_731 = arith.addf %add3A_729, %add3A_730 : vector<1024x128xf32>
    %slice3A_732 = vector.extract_strided_slice %dot_general3A_712 {offsets = [0, 128], sizes = [1024, 128], strides = [1, 1]} : vector<1024x256xf32> to vector<1024x128xf32>
    %sub3A_733 = arith.subf %add3A_731, %slice3A_732 : vector<1024x128xf32>
    %lt3A_734 = arith.cmpf olt, %sub3A_733, %min3A_725 : vector<1024x128xf32>
    %jit3A_735 = arith.constant 47 : i32
    %broadcast_in_dim3A_736 = vector.broadcast %jit3A_735 : i32 to vector<1024x128xi32>
    %select_n3A_737 = arith.select %lt3A_734, %broadcast_in_dim3A_736, %select_n3A_724 : vector<1024x128xi1>, vector<1024x128xi32>
    %min3A_738 = arith.minimumf %sub3A_733, %min3A_725 : vector<1024x128xf32>
    %get3A_739 = arith.constant 6144 : index
    %get3A_740 = arith.constant 0 : index
    %get3A_741 = vector.load %arg3[%get3A_739, %get3A_740] : memref<8192x64xf32, #tpu.memory_space<vmem>>, vector<256x64xf32>
    %dot_general3A_742 = arith.constant dense<0.000000e+00> : vector<1024x256xf32>
    %dot_general3A_743 = tpu.matmul %mul3A_3, %get3A_741, %dot_general3A_742 {dimension_numbers = #tpu.dot_dimension_numbers<[1], [1], [0], [0], [0, 0, 1, 0], [], []>, transpose_lhs_hint = false} : vector<1024x64xf32>, vector<256x64xf32>, vector<1024x256xf32> -> vector<1024x256xf32>
    %get3A_744 = arith.constant 0 : index
    %get3A_745 = arith.constant 6144 : index
    %get3A_746 = vector.load %arg4[%get3A_744, %get3A_745] : memref<1x8192xf32, #tpu.memory_space<vmem>>, vector<1x128xf32>
    %add3A_747 = vector.broadcast %get3A_6 : vector<1024x1xf32> to vector<1024x128xf32>
    %add3A_748 = vector.broadcast %get3A_746 : vector<1x128xf32> to vector<1024x128xf32>
    %add3A_749 = arith.addf %add3A_747, %add3A_748 : vector<1024x128xf32>
    %slice3A_750 = vector.extract_strided_slice %dot_general3A_743 {offsets = [0, 0], sizes = [1024, 128], strides = [1, 1]} : vector<1024x256xf32> to vector<1024x128xf32>
    %sub3A_751 = arith.subf %add3A_749, %slice3A_750 : vector<1024x128xf32>
    %lt3A_752 = arith.cmpf olt, %sub3A_751, %min3A_738 : vector<1024x128xf32>
    %jit3A_753 = arith.constant 48 : i32
    %broadcast_in_dim3A_754 = vector.broadcast %jit3A_753 : i32 to vector<1024x128xi32>
    %select_n3A_755 = arith.select %lt3A_752, %broadcast_in_dim3A_754, %select_n3A_737 : vector<1024x128xi1>, vector<1024x128xi32>
    %min3A_756 = arith.minimumf %sub3A_751, %min3A_738 : vector<1024x128xf32>
    %get3A_757 = arith.constant 0 : index
    %get3A_758 = arith.constant 6272 : index
    %get3A_759 = vector.load %arg4[%get3A_757, %get3A_758] : memref<1x8192xf32, #tpu.memory_space<vmem>>, vector<1x128xf32>
    %add3A_760 = vector.broadcast %get3A_6 : vector<1024x1xf32> to vector<1024x128xf32>
    %add3A_761 = vector.broadcast %get3A_759 : vector<1x128xf32> to vector<1024x128xf32>
    %add3A_762 = arith.addf %add3A_760, %add3A_761 : vector<1024x128xf32>
    %slice3A_763 = vector.extract_strided_slice %dot_general3A_743 {offsets = [0, 128], sizes = [1024, 128], strides = [1, 1]} : vector<1024x256xf32> to vector<1024x128xf32>
    %sub3A_764 = arith.subf %add3A_762, %slice3A_763 : vector<1024x128xf32>
    %lt3A_765 = arith.cmpf olt, %sub3A_764, %min3A_756 : vector<1024x128xf32>
    %jit3A_766 = arith.constant 49 : i32
    %broadcast_in_dim3A_767 = vector.broadcast %jit3A_766 : i32 to vector<1024x128xi32>
    %select_n3A_768 = arith.select %lt3A_765, %broadcast_in_dim3A_767, %select_n3A_755 : vector<1024x128xi1>, vector<1024x128xi32>
    %min3A_769 = arith.minimumf %sub3A_764, %min3A_756 : vector<1024x128xf32>
    %get3A_770 = arith.constant 6400 : index
    %get3A_771 = arith.constant 0 : index
    %get3A_772 = vector.load %arg3[%get3A_770, %get3A_771] : memref<8192x64xf32, #tpu.memory_space<vmem>>, vector<256x64xf32>
    %dot_general3A_773 = arith.constant dense<0.000000e+00> : vector<1024x256xf32>
    %dot_general3A_774 = tpu.matmul %mul3A_3, %get3A_772, %dot_general3A_773 {dimension_numbers = #tpu.dot_dimension_numbers<[1], [1], [0], [0], [0, 0, 1, 0], [], []>, transpose_lhs_hint = false} : vector<1024x64xf32>, vector<256x64xf32>, vector<1024x256xf32> -> vector<1024x256xf32>
    %get3A_775 = arith.constant 0 : index
    %get3A_776 = arith.constant 6400 : index
    %get3A_777 = vector.load %arg4[%get3A_775, %get3A_776] : memref<1x8192xf32, #tpu.memory_space<vmem>>, vector<1x128xf32>
    %add3A_778 = vector.broadcast %get3A_6 : vector<1024x1xf32> to vector<1024x128xf32>
    %add3A_779 = vector.broadcast %get3A_777 : vector<1x128xf32> to vector<1024x128xf32>
    %add3A_780 = arith.addf %add3A_778, %add3A_779 : vector<1024x128xf32>
    %slice3A_781 = vector.extract_strided_slice %dot_general3A_774 {offsets = [0, 0], sizes = [1024, 128], strides = [1, 1]} : vector<1024x256xf32> to vector<1024x128xf32>
    %sub3A_782 = arith.subf %add3A_780, %slice3A_781 : vector<1024x128xf32>
    %lt3A_783 = arith.cmpf olt, %sub3A_782, %min3A_769 : vector<1024x128xf32>
    %jit3A_784 = arith.constant 50 : i32
    %broadcast_in_dim3A_785 = vector.broadcast %jit3A_784 : i32 to vector<1024x128xi32>
    %select_n3A_786 = arith.select %lt3A_783, %broadcast_in_dim3A_785, %select_n3A_768 : vector<1024x128xi1>, vector<1024x128xi32>
    %min3A_787 = arith.minimumf %sub3A_782, %min3A_769 : vector<1024x128xf32>
    %get3A_788 = arith.constant 0 : index
    %get3A_789 = arith.constant 6528 : index
    %get3A_790 = vector.load %arg4[%get3A_788, %get3A_789] : memref<1x8192xf32, #tpu.memory_space<vmem>>, vector<1x128xf32>
    %add3A_791 = vector.broadcast %get3A_6 : vector<1024x1xf32> to vector<1024x128xf32>
    %add3A_792 = vector.broadcast %get3A_790 : vector<1x128xf32> to vector<1024x128xf32>
    %add3A_793 = arith.addf %add3A_791, %add3A_792 : vector<1024x128xf32>
    %slice3A_794 = vector.extract_strided_slice %dot_general3A_774 {offsets = [0, 128], sizes = [1024, 128], strides = [1, 1]} : vector<1024x256xf32> to vector<1024x128xf32>
    %sub3A_795 = arith.subf %add3A_793, %slice3A_794 : vector<1024x128xf32>
    %lt3A_796 = arith.cmpf olt, %sub3A_795, %min3A_787 : vector<1024x128xf32>
    %jit3A_797 = arith.constant 51 : i32
    %broadcast_in_dim3A_798 = vector.broadcast %jit3A_797 : i32 to vector<1024x128xi32>
    %select_n3A_799 = arith.select %lt3A_796, %broadcast_in_dim3A_798, %select_n3A_786 : vector<1024x128xi1>, vector<1024x128xi32>
    %min3A_800 = arith.minimumf %sub3A_795, %min3A_787 : vector<1024x128xf32>
    %get3A_801 = arith.constant 6656 : index
    %get3A_802 = arith.constant 0 : index
    %get3A_803 = vector.load %arg3[%get3A_801, %get3A_802] : memref<8192x64xf32, #tpu.memory_space<vmem>>, vector<256x64xf32>
    %dot_general3A_804 = arith.constant dense<0.000000e+00> : vector<1024x256xf32>
    %dot_general3A_805 = tpu.matmul %mul3A_3, %get3A_803, %dot_general3A_804 {dimension_numbers = #tpu.dot_dimension_numbers<[1], [1], [0], [0], [0, 0, 1, 0], [], []>, transpose_lhs_hint = false} : vector<1024x64xf32>, vector<256x64xf32>, vector<1024x256xf32> -> vector<1024x256xf32>
    %get3A_806 = arith.constant 0 : index
    %get3A_807 = arith.constant 6656 : index
    %get3A_808 = vector.load %arg4[%get3A_806, %get3A_807] : memref<1x8192xf32, #tpu.memory_space<vmem>>, vector<1x128xf32>
    %add3A_809 = vector.broadcast %get3A_6 : vector<1024x1xf32> to vector<1024x128xf32>
    %add3A_810 = vector.broadcast %get3A_808 : vector<1x128xf32> to vector<1024x128xf32>
    %add3A_811 = arith.addf %add3A_809, %add3A_810 : vector<1024x128xf32>
    %slice3A_812 = vector.extract_strided_slice %dot_general3A_805 {offsets = [0, 0], sizes = [1024, 128], strides = [1, 1]} : vector<1024x256xf32> to vector<1024x128xf32>
    %sub3A_813 = arith.subf %add3A_811, %slice3A_812 : vector<1024x128xf32>
    %lt3A_814 = arith.cmpf olt, %sub3A_813, %min3A_800 : vector<1024x128xf32>
    %jit3A_815 = arith.constant 52 : i32
    %broadcast_in_dim3A_816 = vector.broadcast %jit3A_815 : i32 to vector<1024x128xi32>
    %select_n3A_817 = arith.select %lt3A_814, %broadcast_in_dim3A_816, %select_n3A_799 : vector<1024x128xi1>, vector<1024x128xi32>
    %min3A_818 = arith.minimumf %sub3A_813, %min3A_800 : vector<1024x128xf32>
    %get3A_819 = arith.constant 0 : index
    %get3A_820 = arith.constant 6784 : index
    %get3A_821 = vector.load %arg4[%get3A_819, %get3A_820] : memref<1x8192xf32, #tpu.memory_space<vmem>>, vector<1x128xf32>
    %add3A_822 = vector.broadcast %get3A_6 : vector<1024x1xf32> to vector<1024x128xf32>
    %add3A_823 = vector.broadcast %get3A_821 : vector<1x128xf32> to vector<1024x128xf32>
    %add3A_824 = arith.addf %add3A_822, %add3A_823 : vector<1024x128xf32>
    %slice3A_825 = vector.extract_strided_slice %dot_general3A_805 {offsets = [0, 128], sizes = [1024, 128], strides = [1, 1]} : vector<1024x256xf32> to vector<1024x128xf32>
    %sub3A_826 = arith.subf %add3A_824, %slice3A_825 : vector<1024x128xf32>
    %lt3A_827 = arith.cmpf olt, %sub3A_826, %min3A_818 : vector<1024x128xf32>
    %jit3A_828 = arith.constant 53 : i32
    %broadcast_in_dim3A_829 = vector.broadcast %jit3A_828 : i32 to vector<1024x128xi32>
    %select_n3A_830 = arith.select %lt3A_827, %broadcast_in_dim3A_829, %select_n3A_817 : vector<1024x128xi1>, vector<1024x128xi32>
    %min3A_831 = arith.minimumf %sub3A_826, %min3A_818 : vector<1024x128xf32>
    %get3A_832 = arith.constant 6912 : index
    %get3A_833 = arith.constant 0 : index
    %get3A_834 = vector.load %arg3[%get3A_832, %get3A_833] : memref<8192x64xf32, #tpu.memory_space<vmem>>, vector<256x64xf32>
    %dot_general3A_835 = arith.constant dense<0.000000e+00> : vector<1024x256xf32>
    %dot_general3A_836 = tpu.matmul %mul3A_3, %get3A_834, %dot_general3A_835 {dimension_numbers = #tpu.dot_dimension_numbers<[1], [1], [0], [0], [0, 0, 1, 0], [], []>, transpose_lhs_hint = false} : vector<1024x64xf32>, vector<256x64xf32>, vector<1024x256xf32> -> vector<1024x256xf32>
    %get3A_837 = arith.constant 0 : index
    %get3A_838 = arith.constant 6912 : index
    %get3A_839 = vector.load %arg4[%get3A_837, %get3A_838] : memref<1x8192xf32, #tpu.memory_space<vmem>>, vector<1x128xf32>
    %add3A_840 = vector.broadcast %get3A_6 : vector<1024x1xf32> to vector<1024x128xf32>
    %add3A_841 = vector.broadcast %get3A_839 : vector<1x128xf32> to vector<1024x128xf32>
    %add3A_842 = arith.addf %add3A_840, %add3A_841 : vector<1024x128xf32>
    %slice3A_843 = vector.extract_strided_slice %dot_general3A_836 {offsets = [0, 0], sizes = [1024, 128], strides = [1, 1]} : vector<1024x256xf32> to vector<1024x128xf32>
    %sub3A_844 = arith.subf %add3A_842, %slice3A_843 : vector<1024x128xf32>
    %lt3A_845 = arith.cmpf olt, %sub3A_844, %min3A_831 : vector<1024x128xf32>
    %jit3A_846 = arith.constant 54 : i32
    %broadcast_in_dim3A_847 = vector.broadcast %jit3A_846 : i32 to vector<1024x128xi32>
    %select_n3A_848 = arith.select %lt3A_845, %broadcast_in_dim3A_847, %select_n3A_830 : vector<1024x128xi1>, vector<1024x128xi32>
    %min3A_849 = arith.minimumf %sub3A_844, %min3A_831 : vector<1024x128xf32>
    %get3A_850 = arith.constant 0 : index
    %get3A_851 = arith.constant 7040 : index
    %get3A_852 = vector.load %arg4[%get3A_850, %get3A_851] : memref<1x8192xf32, #tpu.memory_space<vmem>>, vector<1x128xf32>
    %add3A_853 = vector.broadcast %get3A_6 : vector<1024x1xf32> to vector<1024x128xf32>
    %add3A_854 = vector.broadcast %get3A_852 : vector<1x128xf32> to vector<1024x128xf32>
    %add3A_855 = arith.addf %add3A_853, %add3A_854 : vector<1024x128xf32>
    %slice3A_856 = vector.extract_strided_slice %dot_general3A_836 {offsets = [0, 128], sizes = [1024, 128], strides = [1, 1]} : vector<1024x256xf32> to vector<1024x128xf32>
    %sub3A_857 = arith.subf %add3A_855, %slice3A_856 : vector<1024x128xf32>
    %lt3A_858 = arith.cmpf olt, %sub3A_857, %min3A_849 : vector<1024x128xf32>
    %jit3A_859 = arith.constant 55 : i32
    %broadcast_in_dim3A_860 = vector.broadcast %jit3A_859 : i32 to vector<1024x128xi32>
    %select_n3A_861 = arith.select %lt3A_858, %broadcast_in_dim3A_860, %select_n3A_848 : vector<1024x128xi1>, vector<1024x128xi32>
    %min3A_862 = arith.minimumf %sub3A_857, %min3A_849 : vector<1024x128xf32>
    %get3A_863 = arith.constant 7168 : index
    %get3A_864 = arith.constant 0 : index
    %get3A_865 = vector.load %arg3[%get3A_863, %get3A_864] : memref<8192x64xf32, #tpu.memory_space<vmem>>, vector<256x64xf32>
    %dot_general3A_866 = arith.constant dense<0.000000e+00> : vector<1024x256xf32>
    %dot_general3A_867 = tpu.matmul %mul3A_3, %get3A_865, %dot_general3A_866 {dimension_numbers = #tpu.dot_dimension_numbers<[1], [1], [0], [0], [0, 0, 1, 0], [], []>, transpose_lhs_hint = false} : vector<1024x64xf32>, vector<256x64xf32>, vector<1024x256xf32> -> vector<1024x256xf32>
    %get3A_868 = arith.constant 0 : index
    %get3A_869 = arith.constant 7168 : index
    %get3A_870 = vector.load %arg4[%get3A_868, %get3A_869] : memref<1x8192xf32, #tpu.memory_space<vmem>>, vector<1x128xf32>
    %add3A_871 = vector.broadcast %get3A_6 : vector<1024x1xf32> to vector<1024x128xf32>
    %add3A_872 = vector.broadcast %get3A_870 : vector<1x128xf32> to vector<1024x128xf32>
    %add3A_873 = arith.addf %add3A_871, %add3A_872 : vector<1024x128xf32>
    %slice3A_874 = vector.extract_strided_slice %dot_general3A_867 {offsets = [0, 0], sizes = [1024, 128], strides = [1, 1]} : vector<1024x256xf32> to vector<1024x128xf32>
    %sub3A_875 = arith.subf %add3A_873, %slice3A_874 : vector<1024x128xf32>
    %lt3A_876 = arith.cmpf olt, %sub3A_875, %min3A_862 : vector<1024x128xf32>
    %jit3A_877 = arith.constant 56 : i32
    %broadcast_in_dim3A_878 = vector.broadcast %jit3A_877 : i32 to vector<1024x128xi32>
    %select_n3A_879 = arith.select %lt3A_876, %broadcast_in_dim3A_878, %select_n3A_861 : vector<1024x128xi1>, vector<1024x128xi32>
    %min3A_880 = arith.minimumf %sub3A_875, %min3A_862 : vector<1024x128xf32>
    %get3A_881 = arith.constant 0 : index
    %get3A_882 = arith.constant 7296 : index
    %get3A_883 = vector.load %arg4[%get3A_881, %get3A_882] : memref<1x8192xf32, #tpu.memory_space<vmem>>, vector<1x128xf32>
    %add3A_884 = vector.broadcast %get3A_6 : vector<1024x1xf32> to vector<1024x128xf32>
    %add3A_885 = vector.broadcast %get3A_883 : vector<1x128xf32> to vector<1024x128xf32>
    %add3A_886 = arith.addf %add3A_884, %add3A_885 : vector<1024x128xf32>
    %slice3A_887 = vector.extract_strided_slice %dot_general3A_867 {offsets = [0, 128], sizes = [1024, 128], strides = [1, 1]} : vector<1024x256xf32> to vector<1024x128xf32>
    %sub3A_888 = arith.subf %add3A_886, %slice3A_887 : vector<1024x128xf32>
    %lt3A_889 = arith.cmpf olt, %sub3A_888, %min3A_880 : vector<1024x128xf32>
    %jit3A_890 = arith.constant 57 : i32
    %broadcast_in_dim3A_891 = vector.broadcast %jit3A_890 : i32 to vector<1024x128xi32>
    %select_n3A_892 = arith.select %lt3A_889, %broadcast_in_dim3A_891, %select_n3A_879 : vector<1024x128xi1>, vector<1024x128xi32>
    %min3A_893 = arith.minimumf %sub3A_888, %min3A_880 : vector<1024x128xf32>
    %get3A_894 = arith.constant 7424 : index
    %get3A_895 = arith.constant 0 : index
    %get3A_896 = vector.load %arg3[%get3A_894, %get3A_895] : memref<8192x64xf32, #tpu.memory_space<vmem>>, vector<256x64xf32>
    %dot_general3A_897 = arith.constant dense<0.000000e+00> : vector<1024x256xf32>
    %dot_general3A_898 = tpu.matmul %mul3A_3, %get3A_896, %dot_general3A_897 {dimension_numbers = #tpu.dot_dimension_numbers<[1], [1], [0], [0], [0, 0, 1, 0], [], []>, transpose_lhs_hint = false} : vector<1024x64xf32>, vector<256x64xf32>, vector<1024x256xf32> -> vector<1024x256xf32>
    %get3A_899 = arith.constant 0 : index
    %get3A_900 = arith.constant 7424 : index
    %get3A_901 = vector.load %arg4[%get3A_899, %get3A_900] : memref<1x8192xf32, #tpu.memory_space<vmem>>, vector<1x128xf32>
    %add3A_902 = vector.broadcast %get3A_6 : vector<1024x1xf32> to vector<1024x128xf32>
    %add3A_903 = vector.broadcast %get3A_901 : vector<1x128xf32> to vector<1024x128xf32>
    %add3A_904 = arith.addf %add3A_902, %add3A_903 : vector<1024x128xf32>
    %slice3A_905 = vector.extract_strided_slice %dot_general3A_898 {offsets = [0, 0], sizes = [1024, 128], strides = [1, 1]} : vector<1024x256xf32> to vector<1024x128xf32>
    %sub3A_906 = arith.subf %add3A_904, %slice3A_905 : vector<1024x128xf32>
    %lt3A_907 = arith.cmpf olt, %sub3A_906, %min3A_893 : vector<1024x128xf32>
    %jit3A_908 = arith.constant 58 : i32
    %broadcast_in_dim3A_909 = vector.broadcast %jit3A_908 : i32 to vector<1024x128xi32>
    %select_n3A_910 = arith.select %lt3A_907, %broadcast_in_dim3A_909, %select_n3A_892 : vector<1024x128xi1>, vector<1024x128xi32>
    %min3A_911 = arith.minimumf %sub3A_906, %min3A_893 : vector<1024x128xf32>
    %get3A_912 = arith.constant 0 : index
    %get3A_913 = arith.constant 7552 : index
    %get3A_914 = vector.load %arg4[%get3A_912, %get3A_913] : memref<1x8192xf32, #tpu.memory_space<vmem>>, vector<1x128xf32>
    %add3A_915 = vector.broadcast %get3A_6 : vector<1024x1xf32> to vector<1024x128xf32>
    %add3A_916 = vector.broadcast %get3A_914 : vector<1x128xf32> to vector<1024x128xf32>
    %add3A_917 = arith.addf %add3A_915, %add3A_916 : vector<1024x128xf32>
    %slice3A_918 = vector.extract_strided_slice %dot_general3A_898 {offsets = [0, 128], sizes = [1024, 128], strides = [1, 1]} : vector<1024x256xf32> to vector<1024x128xf32>
    %sub3A_919 = arith.subf %add3A_917, %slice3A_918 : vector<1024x128xf32>
    %lt3A_920 = arith.cmpf olt, %sub3A_919, %min3A_911 : vector<1024x128xf32>
    %jit3A_921 = arith.constant 59 : i32
    %broadcast_in_dim3A_922 = vector.broadcast %jit3A_921 : i32 to vector<1024x128xi32>
    %select_n3A_923 = arith.select %lt3A_920, %broadcast_in_dim3A_922, %select_n3A_910 : vector<1024x128xi1>, vector<1024x128xi32>
    %min3A_924 = arith.minimumf %sub3A_919, %min3A_911 : vector<1024x128xf32>
    %get3A_925 = arith.constant 7680 : index
    %get3A_926 = arith.constant 0 : index
    %get3A_927 = vector.load %arg3[%get3A_925, %get3A_926] : memref<8192x64xf32, #tpu.memory_space<vmem>>, vector<256x64xf32>
    %dot_general3A_928 = arith.constant dense<0.000000e+00> : vector<1024x256xf32>
    %dot_general3A_929 = tpu.matmul %mul3A_3, %get3A_927, %dot_general3A_928 {dimension_numbers = #tpu.dot_dimension_numbers<[1], [1], [0], [0], [0, 0, 1, 0], [], []>, transpose_lhs_hint = false} : vector<1024x64xf32>, vector<256x64xf32>, vector<1024x256xf32> -> vector<1024x256xf32>
    %get3A_930 = arith.constant 0 : index
    %get3A_931 = arith.constant 7680 : index
    %get3A_932 = vector.load %arg4[%get3A_930, %get3A_931] : memref<1x8192xf32, #tpu.memory_space<vmem>>, vector<1x128xf32>
    %add3A_933 = vector.broadcast %get3A_6 : vector<1024x1xf32> to vector<1024x128xf32>
    %add3A_934 = vector.broadcast %get3A_932 : vector<1x128xf32> to vector<1024x128xf32>
    %add3A_935 = arith.addf %add3A_933, %add3A_934 : vector<1024x128xf32>
    %slice3A_936 = vector.extract_strided_slice %dot_general3A_929 {offsets = [0, 0], sizes = [1024, 128], strides = [1, 1]} : vector<1024x256xf32> to vector<1024x128xf32>
    %sub3A_937 = arith.subf %add3A_935, %slice3A_936 : vector<1024x128xf32>
    %lt3A_938 = arith.cmpf olt, %sub3A_937, %min3A_924 : vector<1024x128xf32>
    %jit3A_939 = arith.constant 60 : i32
    %broadcast_in_dim3A_940 = vector.broadcast %jit3A_939 : i32 to vector<1024x128xi32>
    %select_n3A_941 = arith.select %lt3A_938, %broadcast_in_dim3A_940, %select_n3A_923 : vector<1024x128xi1>, vector<1024x128xi32>
    %min3A_942 = arith.minimumf %sub3A_937, %min3A_924 : vector<1024x128xf32>
    %get3A_943 = arith.constant 0 : index
    %get3A_944 = arith.constant 7808 : index
    %get3A_945 = vector.load %arg4[%get3A_943, %get3A_944] : memref<1x8192xf32, #tpu.memory_space<vmem>>, vector<1x128xf32>
    %add3A_946 = vector.broadcast %get3A_6 : vector<1024x1xf32> to vector<1024x128xf32>
    %add3A_947 = vector.broadcast %get3A_945 : vector<1x128xf32> to vector<1024x128xf32>
    %add3A_948 = arith.addf %add3A_946, %add3A_947 : vector<1024x128xf32>
    %slice3A_949 = vector.extract_strided_slice %dot_general3A_929 {offsets = [0, 128], sizes = [1024, 128], strides = [1, 1]} : vector<1024x256xf32> to vector<1024x128xf32>
    %sub3A_950 = arith.subf %add3A_948, %slice3A_949 : vector<1024x128xf32>
    %lt3A_951 = arith.cmpf olt, %sub3A_950, %min3A_942 : vector<1024x128xf32>
    %jit3A_952 = arith.constant 61 : i32
    %broadcast_in_dim3A_953 = vector.broadcast %jit3A_952 : i32 to vector<1024x128xi32>
    %select_n3A_954 = arith.select %lt3A_951, %broadcast_in_dim3A_953, %select_n3A_941 : vector<1024x128xi1>, vector<1024x128xi32>
    %min3A_955 = arith.minimumf %sub3A_950, %min3A_942 : vector<1024x128xf32>
    %get3A_956 = arith.constant 7936 : index
    %get3A_957 = arith.constant 0 : index
    %get3A_958 = vector.load %arg3[%get3A_956, %get3A_957] : memref<8192x64xf32, #tpu.memory_space<vmem>>, vector<256x64xf32>
    %dot_general3A_959 = arith.constant dense<0.000000e+00> : vector<1024x256xf32>
    %dot_general3A_960 = tpu.matmul %mul3A_3, %get3A_958, %dot_general3A_959 {dimension_numbers = #tpu.dot_dimension_numbers<[1], [1], [0], [0], [0, 0, 1, 0], [], []>, transpose_lhs_hint = false} : vector<1024x64xf32>, vector<256x64xf32>, vector<1024x256xf32> -> vector<1024x256xf32>
    %get3A_961 = arith.constant 0 : index
    %get3A_962 = arith.constant 7936 : index
    %get3A_963 = vector.load %arg4[%get3A_961, %get3A_962] : memref<1x8192xf32, #tpu.memory_space<vmem>>, vector<1x128xf32>
    %add3A_964 = vector.broadcast %get3A_6 : vector<1024x1xf32> to vector<1024x128xf32>
    %add3A_965 = vector.broadcast %get3A_963 : vector<1x128xf32> to vector<1024x128xf32>
    %add3A_966 = arith.addf %add3A_964, %add3A_965 : vector<1024x128xf32>
    %slice3A_967 = vector.extract_strided_slice %dot_general3A_960 {offsets = [0, 0], sizes = [1024, 128], strides = [1, 1]} : vector<1024x256xf32> to vector<1024x128xf32>
    %sub3A_968 = arith.subf %add3A_966, %slice3A_967 : vector<1024x128xf32>
    %lt3A_969 = arith.cmpf olt, %sub3A_968, %min3A_955 : vector<1024x128xf32>
    %jit3A_970 = arith.constant 62 : i32
    %broadcast_in_dim3A_971 = vector.broadcast %jit3A_970 : i32 to vector<1024x128xi32>
    %select_n3A_972 = arith.select %lt3A_969, %broadcast_in_dim3A_971, %select_n3A_954 : vector<1024x128xi1>, vector<1024x128xi32>
    %min3A_973 = arith.minimumf %sub3A_968, %min3A_955 : vector<1024x128xf32>
    %get3A_974 = arith.constant 0 : index
    %get3A_975 = arith.constant 8064 : index
    %get3A_976 = vector.load %arg4[%get3A_974, %get3A_975] : memref<1x8192xf32, #tpu.memory_space<vmem>>, vector<1x128xf32>
    %add3A_977 = vector.broadcast %get3A_6 : vector<1024x1xf32> to vector<1024x128xf32>
    %add3A_978 = vector.broadcast %get3A_976 : vector<1x128xf32> to vector<1024x128xf32>
    %add3A_979 = arith.addf %add3A_977, %add3A_978 : vector<1024x128xf32>
    %slice3A_980 = vector.extract_strided_slice %dot_general3A_960 {offsets = [0, 128], sizes = [1024, 128], strides = [1, 1]} : vector<1024x256xf32> to vector<1024x128xf32>
    %sub3A_981 = arith.subf %add3A_979, %slice3A_980 : vector<1024x128xf32>
    %lt3A_982 = arith.cmpf olt, %sub3A_981, %min3A_973 : vector<1024x128xf32>
    %jit3A_983 = arith.constant 63 : i32
    %broadcast_in_dim3A_984 = vector.broadcast %jit3A_983 : i32 to vector<1024x128xi32>
    %select_n3A_985 = arith.select %lt3A_982, %broadcast_in_dim3A_984, %select_n3A_972 : vector<1024x128xi1>, vector<1024x128xi32>
    %min3A_986 = arith.minimumf %sub3A_981, %min3A_973 : vector<1024x128xf32>
    %reduce_min3A = arith.constant dense<0x7F800000> : vector<1024xf32>
    %reduce_min3A_987 = vector.multi_reduction <minimumf>, %min3A_986, %reduce_min3A [1] : vector<1024x128xf32> to vector<1024xf32>
    %broadcast_in_dim3A_988 = vector.shape_cast %reduce_min3A_987 : vector<1024xf32> to vector<1024x1xf32>
    %iota3A = tpu.iota {dimensions = array<i32: 1>} : vector<1024x128xi32>
    %mul3A_989 = arith.constant 128 : i32
    %mul3A_990 = vector.broadcast %mul3A_989 : i32 to vector<1024x128xi32>
    %mul3A_991 = arith.muli %select_n3A_985, %mul3A_990 : vector<1024x128xi32>
    %add3A_992 = arith.addi %mul3A_991, %iota3A : vector<1024x128xi32>
    %eq3A = vector.broadcast %broadcast_in_dim3A_988 : vector<1024x1xf32> to vector<1024x128xf32>
    %eq3A_993 = arith.cmpf oeq, %min3A_986, %eq3A : vector<1024x128xf32>
    %jit3A_994 = arith.constant 8192 : i32
    %broadcast_in_dim3A_995 = vector.broadcast %jit3A_994 : i32 to vector<1024x128xi32>
    %select_n3A_996 = arith.select %eq3A_993, %add3A_992, %broadcast_in_dim3A_995 : vector<1024x128xi1>, vector<1024x128xi32>
    %reduce_min3A_997 = arith.constant dense<2147483647> : vector<1024xi32>
    %reduce_min3A_998 = vector.multi_reduction <minsi>, %select_n3A_996, %reduce_min3A_997 [1] : vector<1024x128xi32> to vector<1024xi32>
    %swap3A = arith.constant 0 : index
    %swap3A_999 = vector.load %arg5[%swap3A] : memref<1024xi32, #tpu.memory_space<vmem>>, vector<1024xi32>
    tpu.vector_store %arg5[%swap3A], %reduce_min3A_998 {strides = array<i32>} : memref<1024xi32, #tpu.memory_space<vmem>>, vector<1024xi32>,
    %eq3A_1000 = arith.constant 0 : i32
    %eq3A_1001 = arith.cmpi eq, %arg0, %eq3A_1000 : i32
    %convert_element_type3A = arith.extui %eq3A_1001 : i1 to i32
    %cond3A = arith.constant 0 : i32
    %cond3A_1002 = arith.cmpi ne, %convert_element_type3A, %cond3A : i32
    scf.if %cond3A_1002 {
      %swap3A_1014 = arith.constant 0.000000e+00 : f32
      %swap3A_1015 = arith.constant 0 : index
      %swap3A_1016 = arith.constant 0 : index
      %swap3A_1017 = memref.load %arg6[%swap3A_1015, %swap3A_1016] : memref<1x1xf32, #tpu.memory_space<smem>>
      memref.store %swap3A_1014, %arg6[%swap3A_1015, %swap3A_1016] : memref<1x1xf32, #tpu.memory_space<smem>>
    } else {
    }
    %get3A_1003 = arith.constant 0 : index
    %get3A_1004 = arith.constant 0 : index
    %get3A_1005 = memref.load %arg6[%get3A_1003, %get3A_1004] : memref<1x1xf32, #tpu.memory_space<smem>>
    %reduce_sum3A = vector.shape_cast %broadcast_in_dim3A_988 : vector<1024x1xf32> to vector<1x1024x1xf32>
    %reduce_sum3A_1006 = arith.constant dense<0.000000e+00> : vector<1xf32>
    %reduce_sum3A_1007 = vector.multi_reduction <add>, %reduce_sum3A, %reduce_sum3A_1006 [1, 2] : vector<1x1024x1xf32> to vector<1xf32>
    %reduce_sum3A_1008 = vector.shape_cast %reduce_sum3A_1007 : vector<1xf32> to vector<1x1x1xf32>
    %reduce_sum3A_1009 = vector.extract %reduce_sum3A_1008[0, 0, 0] : f32 from vector<1x1x1xf32>
    %add3A_1010 = arith.addf %get3A_1005, %reduce_sum3A_1009 : f32
    %swap3A_1011 = arith.constant 0 : index
    %swap3A_1012 = arith.constant 0 : index
    %swap3A_1013 = memref.load %arg6[%swap3A_1011, %swap3A_1012] : memref<1x1xf32, #tpu.memory_space<smem>>
    memref.store %add3A_1010, %arg6[%swap3A_1011, %swap3A_1012] : memref<1x1xf32, #tpu.memory_space<smem>>
    return
  }
  func.func @transform_0(%arg0: i32) -> (i32, i32) {
    %c0_i32 = arith.constant 0 : i32
    %c0_i32_0 = arith.constant 0 : i32
    return %arg0, %c0_i32 : i32, i32
  }
  func.func @transform_1(%arg0: i32) -> (i32, i32) {
    %c0_i32 = arith.constant 0 : i32
    %c0_i32_0 = arith.constant 0 : i32
    return %arg0, %c0_i32 : i32, i32
  }
  func.func @transform_2(%arg0: i32) -> (i32, i32) {
    %c0_i32 = arith.constant 0 : i32
    %c0_i32_0 = arith.constant 0 : i32
    %c0_i32_1 = arith.constant 0 : i32
    return %c0_i32, %c0_i32_0 : i32, i32
  }
  func.func @transform_3(%arg0: i32) -> (i32, i32) {
    %c0_i32 = arith.constant 0 : i32
    %c0_i32_0 = arith.constant 0 : i32
    %c0_i32_1 = arith.constant 0 : i32
    return %c0_i32, %c0_i32_0 : i32, i32
  }
  func.func @transform_4(%arg0: i32) -> i32 {
    %c0_i32 = arith.constant 0 : i32
    return %arg0 : i32
  }
  func.func @transform_5(%arg0: i32) -> (i32, i32) {
    %c0_i32 = arith.constant 0 : i32
    %c0_i32_0 = arith.constant 0 : i32
    %c0_i32_1 = arith.constant 0 : i32
    return %c0_i32, %c0_i32_0 : i32, i32
  }
}

module attributes {stable_mosaic.version = 14 : i64} {
  func.func @_stats_body(%arg0: memref<2x8192xf32, #tpu.memory_space<vmem>>, %arg1: memref<1x1xf32, #tpu.memory_space<smem>>, %arg2: memref<1x1xf32, #tpu.memory_space<smem>>, %arg3: memref<1x1xf32, #tpu.memory_space<smem>>, %arg4: memref<1x1xf32, #tpu.memory_space<smem>>, %arg5: memref<1x1xf32, #tpu.memory_space<smem>>) attributes {dimension_semantics = [], scalar_prefetch = 0 : i64, scratch_operands = 0 : i64, tpu.core_type = #tpu.core_type<tc>} {
    %get3A = arith.constant 0 : index
    %get3A_0 = arith.constant 0 : index
    %get3A_1 = vector.load %arg0[%get3A, %get3A_0] : memref<2x8192xf32, #tpu.memory_space<vmem>>, vector<2x8192xf32>
    %reduce_sum3A = arith.constant dense<0.000000e+00> : vector<8192xf32>
    %reduce_sum3A_2 = vector.multi_reduction <add>, %get3A_1, %reduce_sum3A [0] : vector<2x8192xf32> to vector<8192xf32>
    %broadcast_in_dim3A = vector.shape_cast %reduce_sum3A_2 : vector<8192xf32> to vector<1x8192xf32>
    %div3A = arith.constant 9.216000e+03 : f32
    %div3A_3 = vector.broadcast %div3A : f32 to vector<1x8192xf32>
    %div3A_4 = arith.divf %broadcast_in_dim3A, %div3A_3 : vector<1x8192xf32>
    %add3A = arith.constant 1.000000e-10 : f32
    %add3A_5 = vector.broadcast %add3A : f32 to vector<1x8192xf32>
    %add3A_6 = arith.addf %div3A_4, %add3A_5 : vector<1x8192xf32>
    %log3A = math.log %add3A_6 : vector<1x8192xf32>
    %mul3A = arith.mulf %div3A_4, %log3A : vector<1x8192xf32>
    %reduce_sum3A_7 = vector.shape_cast %mul3A : vector<1x8192xf32> to vector<1x1x8192xf32>
    %reduce_sum3A_8 = arith.constant dense<0.000000e+00> : vector<1xf32>
    %reduce_sum3A_9 = vector.multi_reduction <add>, %reduce_sum3A_7, %reduce_sum3A_8 [1, 2] : vector<1x1x8192xf32> to vector<1xf32>
    %reduce_sum3A_10 = vector.shape_cast %reduce_sum3A_9 : vector<1xf32> to vector<1x1x1xf32>
    %reduce_sum3A_11 = vector.extract %reduce_sum3A_10[0, 0, 0] : f32 from vector<1x1x1xf32>
    %neg3A = arith.constant 0.000000e+00 : f32
    %neg3A_12 = arith.subf %neg3A, %reduce_sum3A_11 : f32
    %exp3A = math.exp %neg3A_12 : f32
    %swap3A = arith.constant 0 : index
    %swap3A_13 = arith.constant 0 : index
    %swap3A_14 = memref.load %arg3[%swap3A, %swap3A_13] : memref<1x1xf32, #tpu.memory_space<smem>>
    memref.store %exp3A, %arg3[%swap3A, %swap3A_13] : memref<1x1xf32, #tpu.memory_space<smem>>
    %gt3A = arith.constant 0.000000e+00 : f32
    %gt3A_15 = vector.broadcast %gt3A : f32 to vector<1x8192xf32>
    %gt3A_16 = arith.cmpf ogt, %broadcast_in_dim3A, %gt3A_15 : vector<1x8192xf32>
    %convert_element_type3A = arith.extui %gt3A_16 : vector<1x8192xi1> to vector<1x8192xi32>
    %convert_element_type3A_17 = arith.sitofp %convert_element_type3A : vector<1x8192xi32> to vector<1x8192xf32>
    %reduce_sum3A_18 = vector.shape_cast %convert_element_type3A_17 : vector<1x8192xf32> to vector<1x1x8192xf32>
    %reduce_sum3A_19 = arith.constant dense<0.000000e+00> : vector<1xf32>
    %reduce_sum3A_20 = vector.multi_reduction <add>, %reduce_sum3A_18, %reduce_sum3A_19 [1, 2] : vector<1x1x8192xf32> to vector<1xf32>
    %reduce_sum3A_21 = vector.shape_cast %reduce_sum3A_20 : vector<1xf32> to vector<1x1x1xf32>
    %reduce_sum3A_22 = vector.extract %reduce_sum3A_21[0, 0, 0] : f32 from vector<1x1x1xf32>
    %swap3A_23 = arith.constant 0 : index
    %swap3A_24 = arith.constant 0 : index
    %swap3A_25 = memref.load %arg5[%swap3A_23, %swap3A_24] : memref<1x1xf32, #tpu.memory_space<smem>>
    memref.store %reduce_sum3A_22, %arg5[%swap3A_23, %swap3A_24] : memref<1x1xf32, #tpu.memory_space<smem>>
    %div3A_26 = arith.constant 8.192000e+03 : f32
    %div3A_27 = arith.divf %reduce_sum3A_22, %div3A_26 : f32
    %swap3A_28 = arith.constant 0 : index
    %swap3A_29 = arith.constant 0 : index
    %swap3A_30 = memref.load %arg4[%swap3A_28, %swap3A_29] : memref<1x1xf32, #tpu.memory_space<smem>>
    memref.store %div3A_27, %arg4[%swap3A_28, %swap3A_29] : memref<1x1xf32, #tpu.memory_space<smem>>
    %get3A_31 = arith.constant 0 : index
    %get3A_32 = arith.constant 0 : index
    %get3A_33 = memref.load %arg1[%get3A_31, %get3A_32] : memref<1x1xf32, #tpu.memory_space<smem>>
    %div3A_34 = arith.constant 5.898240e+05 : f32
    %div3A_35 = arith.divf %get3A_33, %div3A_34 : f32
    %mul3A_36 = arith.constant 2.500000e-01 : f32
    %mul3A_37 = arith.mulf %div3A_35, %mul3A_36 : f32
    %add3A_38 = arith.addf %mul3A_37, %div3A_35 : f32
    %swap3A_39 = arith.constant 0 : index
    %swap3A_40 = arith.constant 0 : index
    %swap3A_41 = memref.load %arg2[%swap3A_39, %swap3A_40] : memref<1x1xf32, #tpu.memory_space<smem>>
    memref.store %add3A_38, %arg2[%swap3A_39, %swap3A_40] : memref<1x1xf32, #tpu.memory_space<smem>>
    return
  }
}

</mosaic_0001>

<sc_bundles>
// kernel: kernel.5.cloned.1.call-start
scs
__scs_entry_jumppad:
0x0: {  	(pc) =	sbr.rel $0x88, $3  }
0x1: {  	(tag) =	ssettag $0x0;
	lr =	simm.s32 $0x1  }
0x2: {  	[smem:$0x3F9F] =	sst lr;
	_ =	strace $0xD0000000  }
0x3: {  	_ = 	snop  }
0x4: {  	_ = 	snop  }
0x5: {  	_ = 	snop  }
0x6: {  	_ = 	snop  }
0x7: {  	_ = 	snop  }
__scs_overlays_trampoline_lowered:
0x8: {  	[smem:$0x3FAE] =	sst s0  }
0x9: {  	[smem:$0x3FAF] =	sst s1  }
0xa: {  	[smem:$0x3FB0] =	sst s2  }
0xb: {  	[smem:$0x3FB1] =	sst s3  }
0xc: {  	[smem:$0x3FB2] =	sst s4  }
0xd: {  	[smem:$0x3FB3] =	sst s5  }
0xe: {  	[smem:$0x3FB4] =	sst s6  }
0xf: {  	[smem:$0x3FB5] =	sst s7  }
0x10: {  	[smem:$0x3FB6] =	sst s8  }
0x11: {  	[smem:$0x3FB7] =	sst s9;
	s0 =	simm.s32 @!p0 $0x0  }
0x12: {  	s1 =	sld [smem:$0x3F9D];
	s0 =	simm.s32 @p0 $0x1  }
0x13: {  	[smem:$0x3FB8] =	sst s0;
	s0 =	simm.s32 @!p1 $0x0  }
0x14: {  	s2 =	sld [smem:$0x3F9C];
	s0 =	simm.s32 @p1 $0x1  }
0x15: {  	[smem:$0x3FB9] =	sst s0;
	s0 =	simm.s32 @!p2 $0x0  }
0x16: {  	s3 =	sld [smem:$0x3FDB];
	s0 =	simm.s32 @p2 $0x1  }
0x17: {  	s4 =	simm.s32 $0x1BF5;
	[smem:$0x3FBB] =	sst s0  }
0x18: {  	s0 =	sld [smem:$0x3F9E];
	_ =	swait.ge [sflag:s4], $0x0  }
0x19: {  	s7 =	sld [smem:$0x3F9F]  }
0x1a: {  	s8 =	sadd.s32 $0xFFFFE003, lr  }
0x1b: {  	s9 =	sadd.s32 $0xFFFFFEF7, lr;
	s5 =	simm.s32 $0xFFFFFFFF;
	p2 =	slt.u32 s8, $0xFFFFF086  }
0x1c: {  	p1 =	slt.u32 s9, $0xF7A;
	s5 =	simm.s32 @!p2 $0x0  }
0x1d: {  	s5 =	simm.s32 @p1 $0x1;
	p0 =	seq.s32 s7, s2  }
0x1e: {  	s7 =	smul.u32 @!p0 $0xF7A, s2;
	p2 =	seq.s32 @!p0 s5, $0x0  }
0x1f: {  	s9 =	smul.u32 $0xF7A, s1;
	s8 =	simm.s32 @!p0 $0x1BF5;
	p2 =	por !p2, p0  }
0x20: {  	[sflag:s8] =	ssyncset.s32 @!p0 $0xFFFFF086;
	s6 =	sadd.s32 @!p0 s3, s7;
	s7 =	simm.s32 @!p0 $0x108  }
0x21: {  	s3 =	sadd.s32 s3, s9;
	s6 =	sadd.s32 @!p0 $0x88, s6;
	s7 =	simm.s32 @p2 $0x1082  }
0x22: {  	[simem:s7], [sflag:s8] =	dma.local @!p0 [hbm:s6], $0xF7A  }
0x23: {  	s9 =	sor.u32 $0xD0000000, s2;
	s6 =	simm.s32 $0x108;
	_ =	swait.ge @!p0 [sflag:s8], $0x0  }
0x24: {  	s3 =	sadd.s32 $0x88, s3;
	s6 =	simm.s32 @!p1 $0x1082;
	[sflag:s4] =	ssyncset.s32 $0xFFFFF086  }
0x25: {  	[simem:s6], [sflag:s4] =	dma.local [hbm:s3], $0xF7A  }
0x26: {  	[smem:$0x3F9F] =	sst s1;
	(tag) =	ssettag s2;
	_ =	strace s9  }
0x27: {  	s1 =	sld [smem:$0x3FAF]  }
0x28: {  	s2 =	sld [smem:$0x3FB0]  }
0x29: {  	s4 =	sld [smem:$0x3FB2]  }
0x2a: {  	p0 =	seq.s32 s5, $0x0;
	s5 =	sld [smem:$0x3FB3]  }
0x2b: {  	s6 =	sld [smem:$0x3FB4]  }
0x2c: {  	s7 =	sld [smem:$0x3FB5]  }
0x2d: {  	s3 =	simm.s32 $0x108;
	s8 =	sld [smem:$0x3FB6]  }
0x2e: {  	s3 =	simm.s32 @!p0 $0x1082;
	s9 =	sld [smem:$0x3FB7]  }
0x2f: {  	lr =	sadd.s32 s0, s3;
	s0 =	sld [smem:$0x3FAE]  }
0x30: {  	s3 =	sld [smem:$0x3FB1]  }
0x31: {  	[smem:$0x3FBA] =	sst s10  }
0x32: {  	s10 =	sld [smem:$0x3FB8];
	_ =	sdelay $0x3  }
0x33: {  	p0 =	seq.s32 s10, $0x1;
	s10 =	sld [smem:$0x3FBA];
	_ =	sdelay $0x3  }
0x34: {  	[smem:$0x3FBA] =	sst s10  }
0x35: {  	s10 =	sld [smem:$0x3FB9];
	_ =	sdelay $0x3  }
0x36: {  	p1 =	seq.s32 s10, $0x1;
	s10 =	sld [smem:$0x3FBA];
	_ =	sdelay $0x3  }
0x37: {  	[smem:$0x3FBA] =	sst s10  }
0x38: {  	s10 =	sld [smem:$0x3FBB]  }
0x39: {  	_ = 	snop;
	(pc) =	sbr.ind lr, $3  }
0x3a: {  	_ = 	snop  }
0x3b: {  	_ = 	snop  }
0x3c: {  	p2 =	seq.s32 s10, $0x1;
	s10 =	sld [smem:$0x3FBA]  }
0x3d: {  	_ =	shalt  }
0x3e: {  	_ =	shalt  }
0x3f: {  	_ =	shalt  }
0x40: {  	_ =	shalt  }
0x41: {  	_ =	shalt  }
0x42: {  	_ =	shalt  }
0x43: {  	_ =	shalt  }
0x44: {  	_ =	shalt  }
0x45: {  	_ =	shalt  }
0x46: {  	_ =	shalt  }
0x47: {  	_ =	shalt  }
0x48: {  	_ =	shalt  }
0x49: {  	_ =	shalt  }
0x4a: {  	_ =	shalt  }
0x4b: {  	_ =	shalt  }
0x4c: {  	_ =	shalt  }
0x4d: {  	_ =	shalt  }
0x4e: {  	_ =	shalt  }
0x4f: {  	_ =	shalt  }
0x50: {  	_ =	shalt  }
0x51: {  	_ =	shalt  }
0x52: {  	_ =	shalt  }
0x53: {  	_ =	shalt  }
0x54: {  	_ =	shalt  }
0x55: {  	_ =	shalt  }
0x56: {  	_ =	shalt  }
0x57: {  	_ =	shalt  }
0x58: {  	_ =	shalt  }
0x59: {  	_ =	shalt  }
0x5a: {  	_ =	shalt  }
0x5b: {  	_ =	shalt  }
0x5c: {  	_ =	shalt  }
0x5d: {  	_ =	shalt  }
0x5e: {  	_ =	shalt  }
0x5f: {  	_ =	shalt  }
0x60: {  	_ =	shalt  }
0x61: {  	_ =	shalt  }
0x62: {  	_ =	shalt  }
0x63: {  	_ =	shalt  }
0x64: {  	_ =	shalt  }
0x65: {  	_ =	shalt  }
0x66: {  	_ =	shalt  }
0x67: {  	_ =	shalt  }
0x68: {  	_ =	shalt  }
0x69: {  	_ =	shalt  }
0x6a: {  	_ =	shalt  }
0x6b: {  	_ =	shalt  }
0x6c: {  	_ =	shalt  }
0x6d: {  	_ =	shalt  }
0x6e: {  	_ =	shalt  }
0x6f: {  	_ =	shalt  }
0x70: {  	_ =	shalt  }
0x71: {  	_ =	shalt  }
0x72: {  	_ =	shalt  }
0x73: {  	_ =	shalt  }
0x74: {  	_ =	shalt  }
0x75: {  	_ =	shalt  }
0x76: {  	_ =	shalt  }
0x77: {  	_ =	shalt  }
0x78: {  	_ =	shalt  }
0x79: {  	_ =	shalt  }
0x7a: {  	_ =	shalt  }
0x7b: {  	_ =	shalt  }
0x7c: {  	_ =	shalt  }
0x7d: {  	_ =	shalt  }
0x7e: {  	_ =	shalt  }
0x7f: {  	_ =	shalt  }
0x80: {  	_ =	shalt  }
0x81: {  	_ =	shalt  }
0x82: {  	_ =	shalt  }
0x83: {  	_ =	shalt  }
0x84: {  	_ =	shalt  }
0x85: {  	_ =	shalt  }
0x86: {  	_ =	shalt  }
0x87: {  	_ =	shalt  }
.Lfunc_end0:
.L_simem_size_0:
called_computation_lowered:
.L_overlay_start_0:
0x88: {  	s2 =	sld [smem:$0x3FD9]  }
0x89: {  	s3 =	sld [smem:$0x3FFE];
	_ =	sdelay $0x1  }
0x8a: {  	s1 =	srdreg.scid  }
0x8b: {  	s0 =	sand.u32 $0x1, s1  }
0x8c: {  	s14 =	sshll.u32 s0, $0xA;
	s2 =	sadd.s32 s3, s2  }
0x8d: {  	s2 =	sadd.s32 s2, s14  }
0x8e: {  	[smem:$0x3FC6] =	sst s2  }
0x8f: {  	_ = 	snop  }
0x90: {  	s2 =	sld [smem:$0x3FD0];
	_ =	sdelay $0x2  }
0x91: {  	s15 =	simm.s32 $0xA;
	s4 =	simm.s32 $0x10  }
0x92: {  	[smem:s4], [sflag:s15] =	dma.local [hbm:s2], $0x1  }
0x93: {  	_ =	swait.eq [sflag:s15], $0x1  }
0x94: {  	[sflag:s15] =	ssyncset.done $0x0  }
0x95: {  	[sflag:s15] =	ssyncadd.s32 $0xFFFFFFFF  }
0x96: {  	s16 =	sld [smem:$0x10];
	(tm) =	ssettm $0x1  }
0x97: {  	s17 =	sld [smem:$0x3FFB];
	_ =	sdelay $0x3  }
0x98: {  	_ =	strace s17  }
0x99: {  	s3 =	sld [smem:$0x3FFC];
	_ =	sdelay $0x3  }
0x9a: {  	_ =	strace s3  }
0x9b: {  	s3 =	sld [smem:$0x3FFD];
	_ =	sdelay $0x3  }
0x9c: {  	_ =	strace s3  }
0x9d: {  	_ =	strace $0x8FFFFFFF  }
0x9e: {  	s18 =	sld [smem:$0x3FDB];
	_ =	sdelay $0x1  }
0x9f: {  	s19 =	simm.s32 $_scs_section_size  }
0xa0: {  	s5 =	simm.s32 $_size__tile_overlayer_lowered;
	s6 =	simm.s32 $_tile_overlayer_lowered  }
0xa1: {  	s22 =	simm.s32 $0x1BFF;
	s21 =	sshll.u32 s6, $0x1;
	s3 =	sadd.s32 s19, s18  }
0xa2: {  	s7 =	simm.s32 $0x0;
	s20 =	sshll.u32 s5, $0x1;
	s5 =	sadd.s32 s21, s3  }
0xa3: {  	[timem:s7], [sflag:s22] =	dma.local [hbm:s5], s20  }
0xa4: {  	_ =	swait.ge [sflag:s22], s20  }
0xa5: {  	s4 =	ssub.s32 $0x0, s20;
	[sflag:s22] =	ssyncset.done $0x0  }
0xa6: {  	[sflag:s22] =	ssyncadd.s32 s4;
	_ =	sdelay $0x1  }
0xa7: {  	s23 =	simm.s32 $0x1B8B  }
0xa8: {  	_ =	swait.ge [sflag:s23], $0x1  }
0xa9: {  	[sflag:s23] =	ssyncset.done $0x0  }
0xaa: {  	s25 =	simm.s32 $0x1B8E;
	s24 =	sld [smem:$0x3FFE];
	[sflag:s23] =	ssyncadd.s32 $0xFFFFFFFF  }
0xab: {  	s26 =	simm.s32 $execute0_lowered;
	[smem:$0x3FD2] =	sst s25  }
0xac: {  	s5 =	sshll.u32 s26, $0x1;
	_ =	strace $0x80000046;
	[dreg:$0x1] =	wrdreg $0xFFFFFFFF  }
0xad: {  	s28 =	simm.s32 $_size_execute0_lowered;
	s3 =	sadd.s32 s3, s5;
	[dreg:$0x0] =	wrdreg $0x0  }
0xae: {  	s5 =	sshll.u32 s28, $0x1;
	[dreg:$0x2] =	wrdreg s3  }
0xaf: {  	[dreg:$0x3] =	wrdreg s5  }
0xb0: {  	[dreg:$0x4] =	wrdreg $0xC0  }
0xb1: {  	_ =	task [dreg:s7], $0x5FFFF  }
0xb2: {  	[dreg:$0x1] =	wrdreg $0xFFFFFFFF  }
0xb3: {  	[dreg:$0x0] =	wrdreg $0x60  }
0xb4: {  	[dreg:$0x2] =	wrdreg s24  }
0xb5: {  	[dreg:$0x3] =	wrdreg s16  }
0xb6: {  	[dreg:$0x4] =	wrdreg $0x4B800  }
0xb7: {  	[dreg:$0x5] =	wrdreg $0x9  }
0xb8: {  	_ =	task.clear_ibuf [dreg:s7], $0x6FFFF;
	_ =	strace $0x90000046  }
0xb9: {  	s29 =	simm.s32 $0x9;
	_ =	strace $0x80000048  }
0xba: {  	_ =	swait.ge [sflag:s29], $0x1  }
0xbb: {  	[sflag:s29] =	ssyncadd.s32 $0xFFFFFFFF  }
0xbc: {  	_ =	strace $0x90000048  }
0xbd: {  	_ =	sfence  }
0xbe: {  	s30 =	sld [smem:$0x0];
	_ =	sdelay $0x2  }
0xbf: {  	s31 =	sshll.u32 s1, $0xD;
	s1 =	sshrl.u32 s1, $0x2  }
0xc0: {  	s3 =	sand.u32 $0x4000, s31;
	s1 =	sadd.s32 s1, s30  }
0xc1: {  	s0 =	sor.u32 s3, s0;
	s1 =	sshll.u32 s1, $0x11  }
0xc2: {  	s0 =	sor.u32 s1, s0  }
0xc3: {  	s0 =	sadd.s32 $0x8F2B, s0  }
0xc4: {  	[sflag:s0] =	ssyncadd.remote.s32 $0x1  }
0xc5: {  	_ =	sfence.sel $0xFFFF  }
0xc6: {  	[dreg:$0x0] =	wrdreg $0xFFFFFFFF;
	(pc) =	sbr.abs _section_cstart, $3  }
0xc7: {  	[dreg:$0x1] =	wrdreg $0xFFFFFFFF  }
0xc8: {  	_ =	task.clear_ibuf [dreg:s7], $0x2FFFF;
	_ =	strace $0x9FFFFFFF  }
0xc9: {  	(tm) =	ssettm $0x7FFFFFFF  }
tec
execute0_lowered:
.L_overlay_start_1:
0x0: {  	(tag) =	ssettag $0x1  }
0x1: {  	s18 =	rddreg [dreg:$0x0]  }
0x2: {  	s16 =	rddreg [dreg:$0x1]  }
0x3: {  	s1 =	rddreg [dreg:$0x2];
	s2 =	simm.s32 $0x0  }
0x4: {  	v0 =	vimm.f32 $0.0e+00;
	[smem:$0x7FF] =	sst s2  }
0x5: {  	s0 =	rddreg [dreg:$0x3];
	_ =	strace $0x80000047;
	[tilespmem:$0x49A0] =	vst v0  }
0x6: {  	[tilespmem:$0x49B0] =	vst v0  }
0x7: {  	[tilespmem:$0x49C0] =	vst v0  }
0x8: {  	[tilespmem:$0x49D0] =	vst v0  }
0x9: {  	[tilespmem:$0x49E0] =	vst v0  }
0xa: {  	[tilespmem:$0x49F0] =	vst v0  }
0xb: {  	[tilespmem:$0x4A00] =	vst v0  }
0xc: {  	[tilespmem:$0x4A10] =	vst v0  }
0xd: {  	[tilespmem:$0x4A20] =	vst v0  }
0xe: {  	[tilespmem:$0x4A30] =	vst v0  }
0xf: {  	[tilespmem:$0x4A40] =	vst v0  }
0x10: {  	[tilespmem:$0x4A50] =	vst v0  }
0x11: {  	[tilespmem:$0x4A60] =	vst v0  }
0x12: {  	[tilespmem:$0x4A70] =	vst v0  }
0x13: {  	[tilespmem:$0x4A80] =	vst v0  }
0x14: {  	[tilespmem:$0x4A90] =	vst v0  }
0x15: {  	[tilespmem:$0x4AA0] =	vst v0  }
0x16: {  	v1 =	vimm.f32 $1.000000000e+00;
	[tilespmem:$0x4980] =	vst v0  }
0x17: {  	[tilespmem:$0x4970] =	vst v1  }
0x18: {  	[tilespmem:$0x4960] =	vst v1  }
0x19: {  	[tilespmem:$0x4950] =	vst v1  }
0x1a: {  	[tilespmem:$0x4940] =	vst v1  }
0x1b: {  	[tilespmem:$0x4930] =	vst v1  }
0x1c: {  	[tilespmem:$0x4920] =	vst v1  }
0x1d: {  	[tilespmem:$0x4B70] =	vst v0  }
0x1e: {  	[tilespmem:$0x4B60] =	vst v0  }
0x1f: {  	[tilespmem:$0x4B50] =	vst v0  }
0x20: {  	[tilespmem:$0x4B40] =	vst v0  }
0x21: {  	[tilespmem:$0x4B30] =	vst v0  }
0x22: {  	[tilespmem:$0x4B20] =	vst v0  }
0x23: {  	[tilespmem:$0x4B10] =	vst v0  }
0x24: {  	[tilespmem:$0x4B00] =	vst v0  }
0x25: {  	[tilespmem:$0x4AF0] =	vst v0  }
0x26: {  	[tilespmem:$0x4AE0] =	vst v0  }
0x27: {  	s3 =	srdreg.scid;
	s19 =	stileid.u32;
	[tilespmem:$0x4AD0] =	vst v0  }
0x28: {  	s20 =	sand.u32 $0x1, s3;
	s29 =	sshll.u32 s19, $0x1;
	[tilespmem:$0x4AC0] =	vst v0  }
0x29: {  	s4 =	simm.s32 $0x4980;
	s30 =	sshll.u32 s19, $0x9;
	s17 =	sor.u32 s20, s29;
	[tilespmem:$0x4AB0] =	vst v0  }
0x2a: {  	s5 =	simm.s32 $0x2;
	s3 =	sadd.s32 s30, s1;
	[tilespmem:$0x4990] =	vst v0;
	s6 =	smul.u32 $0x120, s17  }
0x2b: {  	[spmem:s3] =	stream.linear.scatter [tilespmem:s4], [sflag:$0x2], $0x200, $0x38;
	[tilespmem:$0x4D80] =	vst v63  }
0x2c: {  	_ =	swait.ge [sflag:s5], $0x200;
	s6 =	sshrl.u32 s6, $0x3  }
0x2d: {  	[sflag:s5] =	ssyncset.done $0x0;
	s9 =	sadd.s32 s6, s18  }
0x2e: {  	[sflag:s5] =	ssyncadd.s32 $0xFFFFFE00;
	s6 =	sadd.s32 $0x10C00, s9  }
0x2f: {  	[tilespmem:s2], [sflag:$0x2] =	stream.linear.gather [hbm4b:s6+s2], $0x60, $0x38;
	[tilespmem:$0x4D80] =	vst v63  }
0x30: {  	_ =	swait.ge [sflag:s5], $0x60  }
0x31: {  	[sflag:s5] =	ssyncset.done $0x0  }
0x32: {  	s8 =	simm.s32 $0x60;
	s7 =	sadd.s32 $0x10C0C, s9;
	[sflag:s5] =	ssyncadd.s32 $0xFFFFFFA0  }
0x33: {  	[tilespmem:s8], [sflag:$0x2] =	stream.linear.gather [hbm4b:s7+s2], $0x60, $0x38;
	[tilespmem:$0x4D80] =	vst v63  }
0x34: {  	_ =	swait.ge [sflag:s5], $0x60  }
0x35: {  	[sflag:s5] =	ssyncset.done $0x0  }
0x36: {  	s10 =	simm.s32 $0xC0;
	s9 =	sadd.s32 $0x10C18, s9;
	[sflag:s5] =	ssyncadd.s32 $0xFFFFFFA0  }
0x37: {  	[tilespmem:s10], [sflag:$0x2] =	stream.linear.gather [hbm4b:s9+s2], $0x60, $0x38;
	[tilespmem:$0x4D80] =	vst v63  }
0x38: {  	_ =	swait.ge [sflag:s5], $0x60  }
0x39: {  	[sflag:s5] =	ssyncset.done $0x0  }
0x3a: {  	s12 =	simm.s32 $0x120;
	s11 =	sadd.s32 $0xA00, s18;
	[sflag:s5] =	ssyncadd.s32 $0xFFFFFFA0  }
0x3b: {  	[tilespmem:s12], [sflag:$0x1] =	stream.indirect.gather [hbm4b:s11+s8], $0x40, s2, s8, $0xb8;
	[tilespmem:$0x4D80] =	vst v63  }
0x3c: {  	s13 =	simm.s32 $0x1920  }
0x3d: {  	[tilespmem:s13], [sflag:$0x1] =	stream.indirect.gather [hbm4b:s11+s8], $0x40, s8, s8, $0xb8;
	[tilespmem:$0x4D80] =	vst v63  }
0x3e: {  	s14 =	simm.s32 $0x3120;
	s15 =	simm.s32 $0x1  }
0x3f: {  	[tilespmem:s14], [sflag:$0x1] =	stream.indirect.gather [hbm4b:s11+s8], $0x40, s10, s8, $0xb8;
	[tilespmem:$0x4D80] =	vst v63  }
0x40: {  	_ =	swait.ge [sflag:s15], $0x1800  }
0x41: {  	[sflag:s15] =	ssyncset.done $0x0  }
0x42: {  	[sflag:s15] =	ssyncadd.s32 $0xFFFFE800  }
0x43: {  	_ =	swait.ge [sflag:s15], $0x1800  }
0x44: {  	[sflag:s15] =	ssyncset.done $0x0  }
0x45: {  	[sflag:s15] =	ssyncadd.s32 $0xFFFFE800  }
0x46: {  	s17 =	smul.u32 $0x900, s17;
	_ =	swait.ge [sflag:s15], $0x1800  }
0x47: {  	[sflag:s15] =	ssyncset.done $0x0  }
0x48: {  	s16 =	sadd.s32 s16, s17;
	[sflag:s15] =	ssyncadd.s32 $0xFFFFE800  }
0x49: {  	[hbm4b:s16+s2] =	stream.linear.scatter [tilespmem:s12], [sflag:$0x2], $0x4800, $0x38;
	[tilespmem:$0x4D80] =	vst v63  }
0x4a: {  	_ =	swait.ge [sflag:s5], $0x4800  }
0x4b: {  	[sflag:s5] =	ssyncset.done $0x0  }
0x4c: {  	[sflag:s5] =	ssyncadd.s32 $0xFFFFB800  }
0x4d: {  	s17 =	simm.s32 $0x4920;
	[bflag:$0x0] =	sbarrier.arrive $0xFFFF  }
0x4e: {  	[spmem:s1] =	stream.indirect.scatter.add.f32 [tilespmem:s17], [sflag:$0x2], $0x1, s2, s8, $0xb8;
	[tilespmem:$0x4D80] =	vst v63  }
0x4f: {  	_ =	swait.ge [sflag:s5], $0x60  }
0x50: {  	[sflag:s5] =	ssyncset.done $0x0  }
0x51: {  	s21 =	sshll.u32 s20, $0xA;
	s20 =	ssub.s32 $0x2, s20;
	[sflag:s5] =	ssyncadd.s32 $0xFFFFFFA0  }
0x52: {  	[spmem:s1] =	stream.indirect.scatter.add.f32 [tilespmem:s17], [sflag:$0x2], $0x1, s8, s8, $0xb8;
	[tilespmem:$0x4D80] =	vst v63  }
0x53: {  	s31 =	sshrl.u32 s20, $0x1;
	_ =	swait.ge [sflag:s5], $0x60  }
0x54: {  	s20 =	ssub.s32 s20, s31;
	[sflag:s5] =	ssyncset.done $0x0  }
0x55: {  	p0 =	sne.s32 s19, $0x0;
	s20 =	smax.u32 s20, $0x1;
	[sflag:s5] =	ssyncadd.s32 $0xFFFFFFA0  }
0x56: {  	[spmem:s1] =	stream.indirect.scatter.add.f32 [tilespmem:s17], [sflag:$0x2], $0x1, s10, s8, $0xb8;
	[tilespmem:$0x4D80] =	vst v63  }
0x57: {  	s18 =	sadd.s32 s21, s18;
	s21 =	sadd.s32 $0xFFFFFFFF, s20;
	_ =	swait.ge [sflag:s5], $0x60  }
0x58: {  	s19 =	sshrl.u32 @!p0 s1, $0x3;
	p1 =	sne.s32 s21, $0x0;
	[sflag:s5] =	ssyncset.done $0x0  }
.Ltmp0:
0x59: {  	s22 =	simm.s32 @!p0 $0x1C02;
	[sflag:s5] =	ssyncadd.s32 $0xFFFFFFA0;
	(pc) =	sbr.rel @!p1 .LBB2_2-.Ltmp0, $4  }
0x5a: {  	s20 =	simm.s32 @!p0 $0x2;
	s18 =	sadd.s32 $0x11200, s18;
	[bflag:$0x0] =	sbarrier.arrive $0xFFFF  }
0x5b: {  	[hbm:s18], [sflag:s22] =	dma.local @!p0 [spmem:s19], $0x400  }
0x5c: {  	_ =	swait.ge @!p0 [sflag:s20], $0x400  }
0x5d: {  	[sflag:s20] =	ssyncset.done @!p0 $0x0  }
.LBB2_1:
0x5e: {  	s21 =	sadd.s32 $0xFFFFFFFF, s21;
	[sflag:s20] =	ssyncadd.s32 @!p0 $0xFFFFFC00  }
0x5f: {  	[tilespmem:$0x49A0] =	vst v0;
	p1 =	sne.s32 s21, $0x0  }
0x60: {  	[tilespmem:$0x49B0] =	vst v0  }
0x61: {  	[tilespmem:$0x49C0] =	vst v0  }
0x62: {  	[tilespmem:$0x49D0] =	vst v0  }
0x63: {  	[tilespmem:$0x49E0] =	vst v0  }
0x64: {  	[tilespmem:$0x49F0] =	vst v0  }
0x65: {  	[tilespmem:$0x4A00] =	vst v0  }
0x66: {  	[tilespmem:$0x4A10] =	vst v0  }
0x67: {  	[tilespmem:$0x4A20] =	vst v0  }
0x68: {  	[tilespmem:$0x4A30] =	vst v0  }
0x69: {  	[tilespmem:$0x4A40] =	vst v0  }
0x6a: {  	[tilespmem:$0x4A50] =	vst v0  }
0x6b: {  	[tilespmem:$0x4A60] =	vst v0  }
0x6c: {  	[tilespmem:$0x4A70] =	vst v0  }
0x6d: {  	[tilespmem:$0x4A80] =	vst v0  }
0x6e: {  	[tilespmem:$0x4A90] =	vst v0  }
0x6f: {  	[tilespmem:$0x4AA0] =	vst v0  }
0x70: {  	[tilespmem:$0x4980] =	vst v0  }
0x71: {  	[tilespmem:$0x4970] =	vst v1  }
0x72: {  	[tilespmem:$0x4960] =	vst v1  }
0x73: {  	[tilespmem:$0x4950] =	vst v1  }
0x74: {  	[tilespmem:$0x4940] =	vst v1  }
0x75: {  	[tilespmem:$0x4930] =	vst v1  }
0x76: {  	[tilespmem:$0x4920] =	vst v1  }
0x77: {  	[tilespmem:$0x4B70] =	vst v0  }
0x78: {  	[tilespmem:$0x4B60] =	vst v0  }
0x79: {  	[tilespmem:$0x4B50] =	vst v0  }
0x7a: {  	[tilespmem:$0x4B40] =	vst v0  }
0x7b: {  	[tilespmem:$0x4B30] =	vst v0  }
0x7c: {  	[tilespmem:$0x4B20] =	vst v0  }
0x7d: {  	[tilespmem:$0x4B10] =	vst v0  }
0x7e: {  	[tilespmem:$0x4B00] =	vst v0  }
0x7f: {  	[tilespmem:$0x4AF0] =	vst v0  }
0x80: {  	[tilespmem:$0x4AE0] =	vst v0  }
0x81: {  	[tilespmem:$0x4AD0] =	vst v0  }
0x82: {  	[tilespmem:$0x4AC0] =	vst v0  }
0x83: {  	[tilespmem:$0x4AB0] =	vst v0  }
0x84: {  	[tilespmem:$0x4990] =	vst v0  }
0x85: {  	[spmem:s3] =	stream.linear.scatter [tilespmem:s4], [sflag:$0x2], $0x200, $0x38;
	[tilespmem:$0x4D80] =	vst v63  }
0x86: {  	_ =	swait.ge [sflag:s5], $0x200  }
0x87: {  	[sflag:s5] =	ssyncset.done $0x0  }
0x88: {  	[sflag:s5] =	ssyncadd.s32 $0xFFFFFE00  }
0x89: {  	[tilespmem:s2], [sflag:$0x2] =	stream.linear.gather [hbm4b:s6+s2], $0x60, $0x38;
	[tilespmem:$0x4D80] =	vst v63  }
0x8a: {  	_ =	swait.ge [sflag:s5], $0x60  }
0x8b: {  	[sflag:s5] =	ssyncset.done $0x0  }
0x8c: {  	[sflag:s5] =	ssyncadd.s32 $0xFFFFFFA0  }
0x8d: {  	[tilespmem:s8], [sflag:$0x2] =	stream.linear.gather [hbm4b:s7+s2], $0x60, $0x38;
	[tilespmem:$0x4D80] =	vst v63  }
0x8e: {  	_ =	swait.ge [sflag:s5], $0x60  }
0x8f: {  	[sflag:s5] =	ssyncset.done $0x0  }
0x90: {  	[sflag:s5] =	ssyncadd.s32 $0xFFFFFFA0  }
0x91: {  	[tilespmem:s10], [sflag:$0x2] =	stream.linear.gather [hbm4b:s9+s2], $0x60, $0x38;
	[tilespmem:$0x4D80] =	vst v63  }
0x92: {  	_ =	swait.ge [sflag:s5], $0x60  }
0x93: {  	[sflag:s5] =	ssyncset.done $0x0  }
0x94: {  	[sflag:s5] =	ssyncadd.s32 $0xFFFFFFA0  }
0x95: {  	[tilespmem:s12], [sflag:$0x1] =	stream.indirect.gather [hbm4b:s11+s8], $0x40, s2, s8, $0xb8;
	[tilespmem:$0x4D80] =	vst v63  }
0x96: {  	_ = 	snop  }
0x97: {  	[tilespmem:s13], [sflag:$0x1] =	stream.indirect.gather [hbm4b:s11+s8], $0x40, s8, s8, $0xb8;
	[tilespmem:$0x4D80] =	vst v63  }
0x98: {  	_ = 	snop  }
0x99: {  	[tilespmem:s14], [sflag:$0x1] =	stream.indirect.gather [hbm4b:s11+s8], $0x40, s10, s8, $0xb8;
	[tilespmem:$0x4D80] =	vst v63  }
0x9a: {  	_ =	swait.ge [sflag:s15], $0x1800  }
0x9b: {  	[sflag:s15] =	ssyncset.done $0x0  }
0x9c: {  	[sflag:s15] =	ssyncadd.s32 $0xFFFFE800  }
0x9d: {  	_ =	swait.ge [sflag:s15], $0x1800  }
0x9e: {  	[sflag:s15] =	ssyncset.done $0x0  }
0x9f: {  	[sflag:s15] =	ssyncadd.s32 $0xFFFFE800  }
0xa0: {  	_ =	swait.ge [sflag:s15], $0x1800  }
0xa1: {  	[sflag:s15] =	ssyncset.done $0x0  }
0xa2: {  	[sflag:s15] =	ssyncadd.s32 $0xFFFFE800  }
0xa3: {  	[hbm4b:s16+s2] =	stream.linear.scatter [tilespmem:s12], [sflag:$0x2], $0x4800, $0x38;
	[tilespmem:$0x4D80] =	vst v63  }
0xa4: {  	_ =	swait.ge [sflag:s5], $0x4800  }
0xa5: {  	[sflag:s5] =	ssyncset.done $0x0  }
0xa6: {  	[sflag:s5] =	ssyncadd.s32 $0xFFFFB800  }
0xa7: {  	[bflag:$0x0] =	sbarrier.arrive $0xFFFF  }
0xa8: {  	[spmem:s1] =	stream.indirect.scatter.add.f32 [tilespmem:s17], [sflag:$0x2], $0x1, s2, s8, $0xb8;
	[tilespmem:$0x4D80] =	vst v63  }
0xa9: {  	_ =	swait.ge [sflag:s5], $0x60  }
0xaa: {  	[sflag:s5] =	ssyncset.done $0x0  }
0xab: {  	[sflag:s5] =	ssyncadd.s32 $0xFFFFFFA0  }
0xac: {  	[spmem:s1] =	stream.indirect.scatter.add.f32 [tilespmem:s17], [sflag:$0x2], $0x1, s8, s8, $0xb8;
	[tilespmem:$0x4D80] =	vst v63  }
0xad: {  	_ =	swait.ge [sflag:s5], $0x60  }
0xae: {  	[sflag:s5] =	ssyncset.done $0x0  }
0xaf: {  	[sflag:s5] =	ssyncadd.s32 $0xFFFFFFA0  }
0xb0: {  	[spmem:s1] =	stream.indirect.scatter.add.f32 [tilespmem:s17], [sflag:$0x2], $0x1, s10, s8, $0xb8;
	[tilespmem:$0x4D80] =	vst v63  }
0xb1: {  	_ =	swait.ge [sflag:s5], $0x60  }
0xb2: {  	[sflag:s5] =	ssyncset.done $0x0  }
.Ltmp1:
0xb3: {  	[sflag:s5] =	ssyncadd.s32 $0xFFFFFFA0;
	(pc) =	sbr.rel @p1 .LBB2_1-.Ltmp1, $4  }
0xb4: {  	[bflag:$0x0] =	sbarrier.arrive $0xFFFF  }
0xb5: {  	[hbm:s18], [sflag:s22] =	dma.local @!p0 [spmem:s19], $0x400  }
0xb6: {  	_ =	swait.ge @!p0 [sflag:s20], $0x400  }
0xb7: {  	[sflag:s20] =	ssyncset.done @!p0 $0x0  }
.LBB2_2:
0xb8: {  	[sflag:s20] =	ssyncadd.s32 @!p0 $0xFFFFFC00  }
0xb9: {  	_ =	sfence.sel $0x180000  }
0xba: {  	[bflag:$0x0] =	sbarrier.arrive $0xFFFF  }
0xbb: {  	_ =	strace $0x90000047  }
0xbc: {  	s0 =	sadd.s32 @!p0 $0x100000, s0;
	[bflag:$0x2] =	sbarrier.arrive $0xFFFF  }
0xbd: {  	[sflag:s0] =	ssyncadd.tile.s32 @!p0 $0x1;
	_ =	shalt  }
.Lfunc_end2:
_tile_overlayer_lowered:
.L_overlay_start_2:
0xbe: {  	(tag) =	ssettag $0x2  }
0xbf: {  	s0 =	rddreg [dreg:$0x0];
	s2 =	stileid.u32  }
0xc0: {  	s1 =	rddreg [dreg:$0x1];
	p0 =	sne.s32 s2, $0x0  }
0xc1: {  	s3 =	rddreg [dreg:$0x2];
	[bflag:$0x3] =	sbarrier.arrive $0xFFFF;
	s2 =	simm.s32 @!p0 $0x1C02  }
0xc2: {  	[timem:s3], [sflag:s2] =	dma.local @!p0 [hbm:s0], s1  }
0xc3: {  	s0 =	simm.s32 @!p0 $0x2  }
0xc4: {  	_ =	swait.ge @!p0 [sflag:s0], s1  }
0xc5: {  	s1 =	ssub.s32 @!p0 $0x0, s1;
	[sflag:s0] =	ssyncset.done @!p0 $0x0  }
0xc6: {  	[sflag:s0] =	ssyncadd.s32 @!p0 s1  }
0xc7: {  	[bflag:$0x3] =	sbarrier.arrive $0xFFFF  }
0xc8: {  	_ =	shalt  }

</sc_bundles>
